<compile_context>
chip_gen: v7x
topology: tpu7x:2x2x1
jax: 0.10.2.dev20260603
libtpu: 0.0.44.dev20260713+nightly
codegen_flags: <defaults>
</compile_context>

<pallas_src>
import functools

import jax
import jax.numpy as jnp
from jax import lax
from jax.experimental import pallas as pl
from jax.experimental.pallas import tpu as pltpu
from jax.experimental.pallas import tpu_sc as plsc

B, N, F, D, K = 8, 576, 192, 256, 10
_BIG = 1e30
ROWS = B * N
NW = 32
RPW = ROWS // NW
SEG = N // 16


def _dot(a, b):
    return lax.dot_general(a, b, (((1,), (0,)), ((), ())),
                           preferred_element_type=jnp.float32)


def _dot_t(a, b):
    return lax.dot_general(a, b, (((1,), (1,)), ((), ())),
                           preferred_element_type=jnp.float32)



def _enc_body(xi_ref, wimg_ref, bimg_ref, xie_ref, d2_ref):
    x = xi_ref[0]
    xie = _dot(x, wimg_ref[...]) + bimg_ref[...]
    xie_ref[0] = xie
    sq = jnp.sum(xie * xie, axis=1, keepdims=True)
    gram = _dot_t(xie, xie)
    d2 = sq + jnp.reshape(sq, (1, N)) - 2.0 * gram
    row = lax.broadcasted_iota(jnp.int32, (N, N), 0)
    col = lax.broadcasted_iota(jnp.int32, (N, N), 1)
    d2_ref[0] = jnp.where(row == col, d2 + 1e9, d2)



def _sc_merge(ka, va, kb, vb):
    kbr = lax.rev(kb, (0,))
    vbr = lax.rev(vb, (0,))
    take = ka <= kbr
    km = jnp.where(take, ka, kbr)
    vm = jnp.where(take, va, vbr)
    return plsc.sort_key_val(km, vm)


def _sc_topk_body(d2_hbm, keys_hbm, vals_hbm, d2_v, kout_v, vout_v):
    wid = lax.axis_index("s") * 2 + lax.axis_index("c")
    base = wid * RPW
    pltpu.sync_copy(d2_hbm.at[pl.ds(base * N, RPW * N)], d2_v)

    lane = lax.broadcasted_iota(jnp.int32, (16,), 0).astype(jnp.float32)

    def row_body(r, carry):
        segs = []
        for j in range(SEG):
            kj = d2_v[pl.ds(r * N + j * 16, 16)]
            segs.append(plsc.sort_key_val(kj, lane + jnp.float32(j * 16)))
        while len(segs) > 1:
            nxt = []
            for i in range(0, len(segs) - 1, 2):
                ka, va = segs[i]
                kb, vb = segs[i + 1]
                nxt.append(_sc_merge(ka, va, kb, vb))
            if len(segs) % 2:
                nxt.append(segs[-1])
            segs = nxt
        kout_v[pl.ds(r * 16, 16)] = segs[0][0]
        vout_v[pl.ds(r * 16, 16)] = segs[0][1]
        return carry

    lax.fori_loop(0, RPW, row_body, 0)
    pltpu.sync_copy(kout_v, keys_hbm.at[pl.ds(base * 16, RPW * 16)])
    pltpu.sync_copy(vout_v, vals_hbm.at[pl.ds(base * 16, RPW * 16)])


_sc_topk = functools.partial(
    pl.kernel,
    mesh=plsc.VectorSubcoreMesh(core_axis_name="c", subcore_axis_name="s"),
    out_type=[jax.ShapeDtypeStruct((ROWS * 16,), jnp.float32),
              jax.ShapeDtypeStruct((ROWS * 16,), jnp.float32)],
    scratch_types=[pltpu.VMEM((RPW * N,), jnp.float32),
                   pltpu.VMEM((RPW * 16,), jnp.float32),
                   pltpu.VMEM((RPW * 16,), jnp.float32)],
    compiler_params=pltpu.CompilerParams(needs_layout_passes=False),
)(_sc_topk_body)



def _gcn_body(xie_ref, d2_ref, thrv_ref, thrg_ref, wg_ref, bg_ref,
              we_ref, be_ref, gep_ref, out_ref):
    xie = xie_ref[0]
    d2 = d2_ref[0]
    thrv = thrv_ref[0]
    thrg = thrg_ref[0]
    colf = lax.broadcasted_iota(jnp.int32, (N, N), 1).astype(jnp.float32)
    adj = jnp.where(
        (d2 < thrv) | ((d2 == thrv) & (colf <= thrg)), 1.0, 0.0
    ).astype(jnp.float32)
    agg = _dot(adj, xie)
    h = xie + agg / jnp.float32(K)
    gep = jnp.maximum(_dot(h, wg_ref[...]) + bg_ref[...], 0.0)
    gep_ref[0] = gep
    sv = jnp.sum(gep * we_ref[...], axis=0, keepdims=True)
    i = pl.program_id(0)
    out_ref[pl.ds(i, 1), :] = jnp.sum(sv, axis=1, keepdims=True) + be_ref[...]


@jax.jit
def _run(xi, W_img, b_img2, W_g, b_g2, W_e2, b_e2):
    xie, d2 = pl.pallas_call(
        _enc_body,
        grid=(B,),
        in_specs=[
            pl.BlockSpec((1, N, F), lambda b: (b, 0, 0)),
            pl.BlockSpec((F, D), lambda b: (0, 0)),
            pl.BlockSpec((1, D), lambda b: (0, 0)),
        ],
        out_specs=[
            pl.BlockSpec((1, N, D), lambda b: (b, 0, 0)),
            pl.BlockSpec((1, N, N), lambda b: (b, 0, 0)),
        ],
        out_shape=[
            jax.ShapeDtypeStruct((B, N, D), jnp.float32),
            jax.ShapeDtypeStruct((B, N, N), jnp.float32),
        ],
    )(xi, W_img, b_img2)

    keys, vals = _sc_topk(jnp.reshape(d2, (ROWS * N,)))
    thrv = jnp.reshape(jnp.reshape(keys, (ROWS, 16))[:, K - 1], (B, N, 1))
    thrg = jnp.reshape(jnp.reshape(vals, (ROWS, 16))[:, K - 1], (B, N, 1))

    gep, out = pl.pallas_call(
        _gcn_body,
        grid=(B,),
        in_specs=[
            pl.BlockSpec((1, N, D), lambda b: (b, 0, 0)),
            pl.BlockSpec((1, N, N), lambda b: (b, 0, 0)),
            pl.BlockSpec((1, N, 1), lambda b: (b, 0, 0)),
            pl.BlockSpec((1, N, 1), lambda b: (b, 0, 0)),
            pl.BlockSpec((D, D), lambda b: (0, 0)),
            pl.BlockSpec((1, D), lambda b: (0, 0)),
            pl.BlockSpec((N, D), lambda b: (0, 0)),
            pl.BlockSpec((1, 1), lambda b: (0, 0)),
        ],
        out_specs=[
            pl.BlockSpec((1, N, D), lambda b: (b, 0, 0)),
            pl.BlockSpec((B, 1), lambda b: (0, 0)),
        ],
        out_shape=[
            jax.ShapeDtypeStruct((B, N, D), jnp.float32),
            jax.ShapeDtypeStruct((B, 1), jnp.float32),
        ],
    )(xie, d2, thrv, thrg, W_g, b_g2, W_e2, b_e2)
    return xie, gep, out


def kernel(xi, W_img, b_img, W_g, b_g, W_e, b_e):
    b_img2 = jnp.reshape(b_img, (1, D))
    b_g2 = jnp.reshape(b_g, (1, D))
    W_e2 = jnp.reshape(W_e, (N, D))
    b_e2 = jnp.reshape(b_e, (1, 1))
    return _run(xi, W_img, b_img2, W_g, b_g2, W_e2, b_e2)

# --- scband reference (transcript-rebuilt; emitter-appended) ---
"""Pipeline reference for scband-res-net-wl-84155589198212 (READ-ONLY COPY).

The authoritative reference and input builder live on the scoring server;
editing this copy changes nothing except your own understanding.
"""

import jax, jax.numpy as jnp
import numpy as np

B, N, F, D, K = 8, 576, 192, 256, 10

def setup_inputs(seed: int = 0) -> dict:
    key = jax.random.key(seed)
    ks = jax.random.split(key, 8)
    return {
        "xi": jax.random.normal(ks[0], (B, N, F), dtype=jnp.float32),
        "W_img": jax.random.normal(ks[1], (F, D), dtype=jnp.float32) * (1.0 / np.sqrt(F)),
        "b_img": jnp.zeros((D,), dtype=jnp.float32),
        "W_g": jax.random.normal(ks[2], (D, D), dtype=jnp.float32) * (1.0 / np.sqrt(D)),
        "b_g": jnp.zeros((D,), dtype=jnp.float32),
        "W_e": jax.random.normal(ks[3], (N * D, 1), dtype=jnp.float32) * (1.0 / np.sqrt(N * D)),
        "b_e": jnp.zeros((1,), dtype=jnp.float32),
    }

def knn_graph(xie, k):
    # xie: [B, N, D]; build per-image kNN graph in embedding space
    sq = jnp.sum(xie * xie, axis=-1)                       # [B, N]
    d2 = sq[:, :, None] + sq[:, None, :] - 2.0 * jnp.einsum('bnd,bmd->bnm', xie, xie)
    d2 = d2 + jnp.eye(xie.shape[1], dtype=d2.dtype) * 1e9  # exclude self
    _, nbr = jax.lax.top_k(-d2, k)                         # [B, N, k] indices of nearest
    src = nbr.reshape(xie.shape[0], -1)                    # [B, N*k]
    dst = jnp.broadcast_to(jnp.repeat(jnp.arange(xie.shape[1]), k)[None, :], src.shape)
    edges = jnp.stack([src, dst], axis=1)                  # [B, 2, N*k]
    return xie, edges

def image_batch_to_graph_batch(edges, batch_size):
    shift = (jnp.arange(batch_size) * N)[:, None, None]
    batch_edges = edges + shift                            # [B, 2, N*k]
    return shift, batch_edges

def grph_enc(x, edge_index, W_g, b_g):
    # one mean-aggregation GCN-style layer
    src, dst = edge_index[0], edge_index[1]
    agg = jax.ops.segment_sum(x[src], dst, num_segments=B * N)
    return jax.nn.relu((x + agg / K) @ W_g + b_g)

def reference(xi, W_img, b_img, W_g, b_g, W_e, b_e):
    xie = xi @ W_img + b_img                               # img_enc
    ge, edges = knn_graph(xie, K)
    _, batch_edges = image_batch_to_graph_batch(edges, ge.shape[0])
    edge_index = jnp.transpose(batch_edges, (1, 0, 2)).reshape(2, -1)
    x = ge.reshape(B * N, D)                               # concat over batch
    gep = grph_enc(x, edge_index, W_g, b_g)
    gep = gep.reshape(B, N, D)                             # split_batch_graph
    out = gep.reshape(B, -1) @ W_e + b_e                   # E_NN on flattened graph
    return xie, gep, out

if __name__ == "__main__":
    import jax
    _d = setup_inputs()
    print(jax.jit(kernel)(*tuple(_d.values())))

</pallas_src>

<mosaic_0001>
#map = affine_map<(d0, d1) -> (0)>
module attributes {stable_mosaic.version = 14 : i64} {
  func.func @_sc_topk_body(%arg0: i32, %arg1: i32, %arg2: memref<2654208xf32, #tpu.memory_space<hbm>>, %arg3: memref<73728xf32, #tpu.memory_space<hbm>>, %arg4: memref<73728xf32, #tpu.memory_space<hbm>>, %arg5: memref<82944xf32, #tpu.memory_space<vmem>>, %arg6: memref<2304xf32, #tpu.memory_space<vmem>>, %arg7: memref<2304xf32, #tpu.memory_space<vmem>>) attributes {dimension_semantics = [#tpu.dimension_semantics<core_parallel>, #tpu.dimension_semantics<subcore_parallel>], iteration_bounds = array<i64: 2, 16>, scalar_prefetch = 0 : i64, scratch_operands = 3 : i64, tpu.core_type = #tpu.core_type<sc_vector_subcore>, window_params = [{transform_indices = #map}, {transform_indices = #map}, {transform_indices = #map}]} {
    %mul3A = arith.constant 2 : i32
    %mul3A_0 = arith.muli %arg1, %mul3A : i32
    %add3A = arith.addi %mul3A_0, %arg0 : i32
    %mul3A_1 = arith.constant 144 : i32
    %mul3A_2 = arith.muli %add3A, %mul3A_1 : i32
    %mul3A_3 = arith.constant 576 : i32
    %mul3A_4 = arith.muli %mul3A_2, %mul3A_3 : i32
    "tpu.region"() ({
      %run_scoped3A = tpu.sem_alloc : memref<!tpu.dma_semaphore, #tpu.memory_space<semaphore_mem>>
      %dma_start3A = tpu.memref_slice %arg2[%mul3A_4] : memref<2654208xf32, #tpu.memory_space<hbm>> -> memref<82944xf32, #tpu.memory_space<hbm>>
      %dma_start3A_14 = tpu.memref_slice %arg2[%mul3A_4] : memref<2654208xf32, #tpu.memory_space<hbm>> -> memref<82944xf32, #tpu.memory_space<hbm>>
      tpu.enqueue_dma source(%dma_start3A_14 : memref<82944xf32, #tpu.memory_space<hbm>>) target(%arg5 : memref<82944xf32, #tpu.memory_space<vmem>>) target_semaphore(%run_scoped3A : memref<!tpu.dma_semaphore, #tpu.memory_space<semaphore_mem>>)
      %dma_wait3A = tpu.memref_slice %arg2[%mul3A_4] : memref<2654208xf32, #tpu.memory_space<hbm>> -> memref<82944xf32, #tpu.memory_space<hbm>>
      %dma_wait3A_15 = tpu.memref_slice %arg2[%mul3A_4] : memref<2654208xf32, #tpu.memory_space<hbm>> -> memref<82944xf32, #tpu.memory_space<hbm>>
      tpu.wait_dma2 semaphore(%run_scoped3A : memref<!tpu.dma_semaphore, #tpu.memory_space<semaphore_mem>>) src(%dma_wait3A_15 : memref<82944xf32, #tpu.memory_space<hbm>>) dst(%arg5 : memref<82944xf32, #tpu.memory_space<vmem>>)
      tpu.yield
    }) : () -> ()
    %iota3A = tpu.iota {dimensions = array<i32: 0>} : vector<16xi32>
    %convert_element_type3A = arith.sitofp %iota3A : vector<16xi32> to vector<16xf32>
    %scan3A = arith.constant 0 : i32
    %scan3A_5 = arith.constant 0 : i32
    %scan3A_6 = arith.constant 144 : i32
    %scan3A_7 = arith.addi %scan3A_5, %scan3A_6 : i32
    %scan3A_8 = arith.constant 1 : i32
    scf.for %scan3A_14 = %scan3A_5 to %scan3A_7 step %scan3A_8  : i32 {
      %mul3A_15 = arith.constant 576 : i32
      %mul3A_16 = arith.muli %scan3A_14, %mul3A_15 : i32
      %add3A_17 = arith.constant 0 : i32
      %add3A_18 = arith.addi %mul3A_16, %add3A_17 : i32
      %get3A = arith.index_cast %add3A_18 : i32 to index
      %get3A_19 = tpu.vector_load %arg5[%get3A] {strides = array<i32>} : memref<82944xf32, #tpu.memory_space<vmem>>, vector<16xf32>,
      %add3A_20 = arith.constant 0.000000e+00 : f32
      %add3A_21 = vector.broadcast %add3A_20 : f32 to vector<16xf32>
      %add3A_22 = arith.addf %convert_element_type3A, %add3A_21 : vector<16xf32>
      %masked_sort3A = arith.constant dense<true> : vector<16xi1>
      %masked_sort3A_23, %masked_sort3A_24, %masked_sort3A_25 = tpu.sort %get3A_19, %add3A_22 masked %masked_sort3A : (vector<16xf32>, vector<16xf32>, vector<16xi1>) -> (vector<16xi1>, vector<16xf32>, vector<16xf32>)
      %mul3A_26 = arith.constant 576 : i32
      %mul3A_27 = arith.muli %scan3A_14, %mul3A_26 : i32
      %add3A_28 = arith.constant 16 : i32
      %add3A_29 = arith.addi %mul3A_27, %add3A_28 : i32
      %get3A_30 = arith.index_cast %add3A_29 : i32 to index
      %get3A_31 = tpu.vector_load %arg5[%get3A_30] {strides = array<i32>} : memref<82944xf32, #tpu.memory_space<vmem>>, vector<16xf32>,
      %add3A_32 = arith.constant 1.600000e+01 : f32
      %add3A_33 = vector.broadcast %add3A_32 : f32 to vector<16xf32>
      %add3A_34 = arith.addf %convert_element_type3A, %add3A_33 : vector<16xf32>
      %masked_sort3A_35 = arith.constant dense<true> : vector<16xi1>
      %masked_sort3A_36, %masked_sort3A_37, %masked_sort3A_38 = tpu.sort %get3A_31, %add3A_34 masked %masked_sort3A_35 : (vector<16xf32>, vector<16xf32>, vector<16xi1>) -> (vector<16xi1>, vector<16xf32>, vector<16xf32>)
      %mul3A_39 = arith.constant 576 : i32
      %mul3A_40 = arith.muli %scan3A_14, %mul3A_39 : i32
      %add3A_41 = arith.constant 32 : i32
      %add3A_42 = arith.addi %mul3A_40, %add3A_41 : i32
      %get3A_43 = arith.index_cast %add3A_42 : i32 to index
      %get3A_44 = tpu.vector_load %arg5[%get3A_43] {strides = array<i32>} : memref<82944xf32, #tpu.memory_space<vmem>>, vector<16xf32>,
      %add3A_45 = arith.constant 3.200000e+01 : f32
      %add3A_46 = vector.broadcast %add3A_45 : f32 to vector<16xf32>
      %add3A_47 = arith.addf %convert_element_type3A, %add3A_46 : vector<16xf32>
      %masked_sort3A_48 = arith.constant dense<true> : vector<16xi1>
      %masked_sort3A_49, %masked_sort3A_50, %masked_sort3A_51 = tpu.sort %get3A_44, %add3A_47 masked %masked_sort3A_48 : (vector<16xf32>, vector<16xf32>, vector<16xi1>) -> (vector<16xi1>, vector<16xf32>, vector<16xf32>)
      %mul3A_52 = arith.constant 576 : i32
      %mul3A_53 = arith.muli %scan3A_14, %mul3A_52 : i32
      %add3A_54 = arith.constant 48 : i32
      %add3A_55 = arith.addi %mul3A_53, %add3A_54 : i32
      %get3A_56 = arith.index_cast %add3A_55 : i32 to index
      %get3A_57 = tpu.vector_load %arg5[%get3A_56] {strides = array<i32>} : memref<82944xf32, #tpu.memory_space<vmem>>, vector<16xf32>,
      %add3A_58 = arith.constant 4.800000e+01 : f32
      %add3A_59 = vector.broadcast %add3A_58 : f32 to vector<16xf32>
      %add3A_60 = arith.addf %convert_element_type3A, %add3A_59 : vector<16xf32>
      %masked_sort3A_61 = arith.constant dense<true> : vector<16xi1>
      %masked_sort3A_62, %masked_sort3A_63, %masked_sort3A_64 = tpu.sort %get3A_57, %add3A_60 masked %masked_sort3A_61 : (vector<16xf32>, vector<16xf32>, vector<16xi1>) -> (vector<16xi1>, vector<16xf32>, vector<16xf32>)
      %mul3A_65 = arith.constant 576 : i32
      %mul3A_66 = arith.muli %scan3A_14, %mul3A_65 : i32
      %add3A_67 = arith.constant 64 : i32
      %add3A_68 = arith.addi %mul3A_66, %add3A_67 : i32
      %get3A_69 = arith.index_cast %add3A_68 : i32 to index
      %get3A_70 = tpu.vector_load %arg5[%get3A_69] {strides = array<i32>} : memref<82944xf32, #tpu.memory_space<vmem>>, vector<16xf32>,
      %add3A_71 = arith.constant 6.400000e+01 : f32
      %add3A_72 = vector.broadcast %add3A_71 : f32 to vector<16xf32>
      %add3A_73 = arith.addf %convert_element_type3A, %add3A_72 : vector<16xf32>
      %masked_sort3A_74 = arith.constant dense<true> : vector<16xi1>
      %masked_sort3A_75, %masked_sort3A_76, %masked_sort3A_77 = tpu.sort %get3A_70, %add3A_73 masked %masked_sort3A_74 : (vector<16xf32>, vector<16xf32>, vector<16xi1>) -> (vector<16xi1>, vector<16xf32>, vector<16xf32>)
      %mul3A_78 = arith.constant 576 : i32
      %mul3A_79 = arith.muli %scan3A_14, %mul3A_78 : i32
      %add3A_80 = arith.constant 80 : i32
      %add3A_81 = arith.addi %mul3A_79, %add3A_80 : i32
      %get3A_82 = arith.index_cast %add3A_81 : i32 to index
      %get3A_83 = tpu.vector_load %arg5[%get3A_82] {strides = array<i32>} : memref<82944xf32, #tpu.memory_space<vmem>>, vector<16xf32>,
      %add3A_84 = arith.constant 8.000000e+01 : f32
      %add3A_85 = vector.broadcast %add3A_84 : f32 to vector<16xf32>
      %add3A_86 = arith.addf %convert_element_type3A, %add3A_85 : vector<16xf32>
      %masked_sort3A_87 = arith.constant dense<true> : vector<16xi1>
      %masked_sort3A_88, %masked_sort3A_89, %masked_sort3A_90 = tpu.sort %get3A_83, %add3A_86 masked %masked_sort3A_87 : (vector<16xf32>, vector<16xf32>, vector<16xi1>) -> (vector<16xi1>, vector<16xf32>, vector<16xf32>)
      %mul3A_91 = arith.constant 576 : i32
      %mul3A_92 = arith.muli %scan3A_14, %mul3A_91 : i32
      %add3A_93 = arith.constant 96 : i32
      %add3A_94 = arith.addi %mul3A_92, %add3A_93 : i32
      %get3A_95 = arith.index_cast %add3A_94 : i32 to index
      %get3A_96 = tpu.vector_load %arg5[%get3A_95] {strides = array<i32>} : memref<82944xf32, #tpu.memory_space<vmem>>, vector<16xf32>,
      %add3A_97 = arith.constant 9.600000e+01 : f32
      %add3A_98 = vector.broadcast %add3A_97 : f32 to vector<16xf32>
      %add3A_99 = arith.addf %convert_element_type3A, %add3A_98 : vector<16xf32>
      %masked_sort3A_100 = arith.constant dense<true> : vector<16xi1>
      %masked_sort3A_101, %masked_sort3A_102, %masked_sort3A_103 = tpu.sort %get3A_96, %add3A_99 masked %masked_sort3A_100 : (vector<16xf32>, vector<16xf32>, vector<16xi1>) -> (vector<16xi1>, vector<16xf32>, vector<16xf32>)
      %mul3A_104 = arith.constant 576 : i32
      %mul3A_105 = arith.muli %scan3A_14, %mul3A_104 : i32
      %add3A_106 = arith.constant 112 : i32
      %add3A_107 = arith.addi %mul3A_105, %add3A_106 : i32
      %get3A_108 = arith.index_cast %add3A_107 : i32 to index
      %get3A_109 = tpu.vector_load %arg5[%get3A_108] {strides = array<i32>} : memref<82944xf32, #tpu.memory_space<vmem>>, vector<16xf32>,
      %add3A_110 = arith.constant 1.120000e+02 : f32
      %add3A_111 = vector.broadcast %add3A_110 : f32 to vector<16xf32>
      %add3A_112 = arith.addf %convert_element_type3A, %add3A_111 : vector<16xf32>
      %masked_sort3A_113 = arith.constant dense<true> : vector<16xi1>
      %masked_sort3A_114, %masked_sort3A_115, %masked_sort3A_116 = tpu.sort %get3A_109, %add3A_112 masked %masked_sort3A_113 : (vector<16xf32>, vector<16xf32>, vector<16xi1>) -> (vector<16xi1>, vector<16xf32>, vector<16xf32>)
      %mul3A_117 = arith.constant 576 : i32
      %mul3A_118 = arith.muli %scan3A_14, %mul3A_117 : i32
      %add3A_119 = arith.constant 128 : i32
      %add3A_120 = arith.addi %mul3A_118, %add3A_119 : i32
      %get3A_121 = arith.index_cast %add3A_120 : i32 to index
      %get3A_122 = tpu.vector_load %arg5[%get3A_121] {strides = array<i32>} : memref<82944xf32, #tpu.memory_space<vmem>>, vector<16xf32>,
      %add3A_123 = arith.constant 1.280000e+02 : f32
      %add3A_124 = vector.broadcast %add3A_123 : f32 to vector<16xf32>
      %add3A_125 = arith.addf %convert_element_type3A, %add3A_124 : vector<16xf32>
      %masked_sort3A_126 = arith.constant dense<true> : vector<16xi1>
      %masked_sort3A_127, %masked_sort3A_128, %masked_sort3A_129 = tpu.sort %get3A_122, %add3A_125 masked %masked_sort3A_126 : (vector<16xf32>, vector<16xf32>, vector<16xi1>) -> (vector<16xi1>, vector<16xf32>, vector<16xf32>)
      %mul3A_130 = arith.constant 576 : i32
      %mul3A_131 = arith.muli %scan3A_14, %mul3A_130 : i32
      %add3A_132 = arith.constant 144 : i32
      %add3A_133 = arith.addi %mul3A_131, %add3A_132 : i32
      %get3A_134 = arith.index_cast %add3A_133 : i32 to index
      %get3A_135 = tpu.vector_load %arg5[%get3A_134] {strides = array<i32>} : memref<82944xf32, #tpu.memory_space<vmem>>, vector<16xf32>,
      %add3A_136 = arith.constant 1.440000e+02 : f32
      %add3A_137 = vector.broadcast %add3A_136 : f32 to vector<16xf32>
      %add3A_138 = arith.addf %convert_element_type3A, %add3A_137 : vector<16xf32>
      %masked_sort3A_139 = arith.constant dense<true> : vector<16xi1>
      %masked_sort3A_140, %masked_sort3A_141, %masked_sort3A_142 = tpu.sort %get3A_135, %add3A_138 masked %masked_sort3A_139 : (vector<16xf32>, vector<16xf32>, vector<16xi1>) -> (vector<16xi1>, vector<16xf32>, vector<16xf32>)
      %mul3A_143 = arith.constant 576 : i32
      %mul3A_144 = arith.muli %scan3A_14, %mul3A_143 : i32
      %add3A_145 = arith.constant 160 : i32
      %add3A_146 = arith.addi %mul3A_144, %add3A_145 : i32
      %get3A_147 = arith.index_cast %add3A_146 : i32 to index
      %get3A_148 = tpu.vector_load %arg5[%get3A_147] {strides = array<i32>} : memref<82944xf32, #tpu.memory_space<vmem>>, vector<16xf32>,
      %add3A_149 = arith.constant 1.600000e+02 : f32
      %add3A_150 = vector.broadcast %add3A_149 : f32 to vector<16xf32>
      %add3A_151 = arith.addf %convert_element_type3A, %add3A_150 : vector<16xf32>
      %masked_sort3A_152 = arith.constant dense<true> : vector<16xi1>
      %masked_sort3A_153, %masked_sort3A_154, %masked_sort3A_155 = tpu.sort %get3A_148, %add3A_151 masked %masked_sort3A_152 : (vector<16xf32>, vector<16xf32>, vector<16xi1>) -> (vector<16xi1>, vector<16xf32>, vector<16xf32>)
      %mul3A_156 = arith.constant 576 : i32
      %mul3A_157 = arith.muli %scan3A_14, %mul3A_156 : i32
      %add3A_158 = arith.constant 176 : i32
      %add3A_159 = arith.addi %mul3A_157, %add3A_158 : i32
      %get3A_160 = arith.index_cast %add3A_159 : i32 to index
      %get3A_161 = tpu.vector_load %arg5[%get3A_160] {strides = array<i32>} : memref<82944xf32, #tpu.memory_space<vmem>>, vector<16xf32>,
      %add3A_162 = arith.constant 1.760000e+02 : f32
      %add3A_163 = vector.broadcast %add3A_162 : f32 to vector<16xf32>
      %add3A_164 = arith.addf %convert_element_type3A, %add3A_163 : vector<16xf32>
      %masked_sort3A_165 = arith.constant dense<true> : vector<16xi1>
      %masked_sort3A_166, %masked_sort3A_167, %masked_sort3A_168 = tpu.sort %get3A_161, %add3A_164 masked %masked_sort3A_165 : (vector<16xf32>, vector<16xf32>, vector<16xi1>) -> (vector<16xi1>, vector<16xf32>, vector<16xf32>)
      %mul3A_169 = arith.constant 576 : i32
      %mul3A_170 = arith.muli %scan3A_14, %mul3A_169 : i32
      %add3A_171 = arith.constant 192 : i32
      %add3A_172 = arith.addi %mul3A_170, %add3A_171 : i32
      %get3A_173 = arith.index_cast %add3A_172 : i32 to index
      %get3A_174 = tpu.vector_load %arg5[%get3A_173] {strides = array<i32>} : memref<82944xf32, #tpu.memory_space<vmem>>, vector<16xf32>,
      %add3A_175 = arith.constant 1.920000e+02 : f32
      %add3A_176 = vector.broadcast %add3A_175 : f32 to vector<16xf32>
      %add3A_177 = arith.addf %convert_element_type3A, %add3A_176 : vector<16xf32>
      %masked_sort3A_178 = arith.constant dense<true> : vector<16xi1>
      %masked_sort3A_179, %masked_sort3A_180, %masked_sort3A_181 = tpu.sort %get3A_174, %add3A_177 masked %masked_sort3A_178 : (vector<16xf32>, vector<16xf32>, vector<16xi1>) -> (vector<16xi1>, vector<16xf32>, vector<16xf32>)
      %mul3A_182 = arith.constant 576 : i32
      %mul3A_183 = arith.muli %scan3A_14, %mul3A_182 : i32
      %add3A_184 = arith.constant 208 : i32
      %add3A_185 = arith.addi %mul3A_183, %add3A_184 : i32
      %get3A_186 = arith.index_cast %add3A_185 : i32 to index
      %get3A_187 = tpu.vector_load %arg5[%get3A_186] {strides = array<i32>} : memref<82944xf32, #tpu.memory_space<vmem>>, vector<16xf32>,
      %add3A_188 = arith.constant 2.080000e+02 : f32
      %add3A_189 = vector.broadcast %add3A_188 : f32 to vector<16xf32>
      %add3A_190 = arith.addf %convert_element_type3A, %add3A_189 : vector<16xf32>
      %masked_sort3A_191 = arith.constant dense<true> : vector<16xi1>
      %masked_sort3A_192, %masked_sort3A_193, %masked_sort3A_194 = tpu.sort %get3A_187, %add3A_190 masked %masked_sort3A_191 : (vector<16xf32>, vector<16xf32>, vector<16xi1>) -> (vector<16xi1>, vector<16xf32>, vector<16xf32>)
      %mul3A_195 = arith.constant 576 : i32
      %mul3A_196 = arith.muli %scan3A_14, %mul3A_195 : i32
      %add3A_197 = arith.constant 224 : i32
      %add3A_198 = arith.addi %mul3A_196, %add3A_197 : i32
      %get3A_199 = arith.index_cast %add3A_198 : i32 to index
      %get3A_200 = tpu.vector_load %arg5[%get3A_199] {strides = array<i32>} : memref<82944xf32, #tpu.memory_space<vmem>>, vector<16xf32>,
      %add3A_201 = arith.constant 2.240000e+02 : f32
      %add3A_202 = vector.broadcast %add3A_201 : f32 to vector<16xf32>
      %add3A_203 = arith.addf %convert_element_type3A, %add3A_202 : vector<16xf32>
      %masked_sort3A_204 = arith.constant dense<true> : vector<16xi1>
      %masked_sort3A_205, %masked_sort3A_206, %masked_sort3A_207 = tpu.sort %get3A_200, %add3A_203 masked %masked_sort3A_204 : (vector<16xf32>, vector<16xf32>, vector<16xi1>) -> (vector<16xi1>, vector<16xf32>, vector<16xf32>)
      %mul3A_208 = arith.constant 576 : i32
      %mul3A_209 = arith.muli %scan3A_14, %mul3A_208 : i32
      %add3A_210 = arith.constant 240 : i32
      %add3A_211 = arith.addi %mul3A_209, %add3A_210 : i32
      %get3A_212 = arith.index_cast %add3A_211 : i32 to index
      %get3A_213 = tpu.vector_load %arg5[%get3A_212] {strides = array<i32>} : memref<82944xf32, #tpu.memory_space<vmem>>, vector<16xf32>,
      %add3A_214 = arith.constant 2.400000e+02 : f32
      %add3A_215 = vector.broadcast %add3A_214 : f32 to vector<16xf32>
      %add3A_216 = arith.addf %convert_element_type3A, %add3A_215 : vector<16xf32>
      %masked_sort3A_217 = arith.constant dense<true> : vector<16xi1>
      %masked_sort3A_218, %masked_sort3A_219, %masked_sort3A_220 = tpu.sort %get3A_213, %add3A_216 masked %masked_sort3A_217 : (vector<16xf32>, vector<16xf32>, vector<16xi1>) -> (vector<16xi1>, vector<16xf32>, vector<16xf32>)
      %mul3A_221 = arith.constant 576 : i32
      %mul3A_222 = arith.muli %scan3A_14, %mul3A_221 : i32
      %add3A_223 = arith.constant 256 : i32
      %add3A_224 = arith.addi %mul3A_222, %add3A_223 : i32
      %get3A_225 = arith.index_cast %add3A_224 : i32 to index
      %get3A_226 = tpu.vector_load %arg5[%get3A_225] {strides = array<i32>} : memref<82944xf32, #tpu.memory_space<vmem>>, vector<16xf32>,
      %add3A_227 = arith.constant 2.560000e+02 : f32
      %add3A_228 = vector.broadcast %add3A_227 : f32 to vector<16xf32>
      %add3A_229 = arith.addf %convert_element_type3A, %add3A_228 : vector<16xf32>
      %masked_sort3A_230 = arith.constant dense<true> : vector<16xi1>
      %masked_sort3A_231, %masked_sort3A_232, %masked_sort3A_233 = tpu.sort %get3A_226, %add3A_229 masked %masked_sort3A_230 : (vector<16xf32>, vector<16xf32>, vector<16xi1>) -> (vector<16xi1>, vector<16xf32>, vector<16xf32>)
      %mul3A_234 = arith.constant 576 : i32
      %mul3A_235 = arith.muli %scan3A_14, %mul3A_234 : i32
      %add3A_236 = arith.constant 272 : i32
      %add3A_237 = arith.addi %mul3A_235, %add3A_236 : i32
      %get3A_238 = arith.index_cast %add3A_237 : i32 to index
      %get3A_239 = tpu.vector_load %arg5[%get3A_238] {strides = array<i32>} : memref<82944xf32, #tpu.memory_space<vmem>>, vector<16xf32>,
      %add3A_240 = arith.constant 2.720000e+02 : f32
      %add3A_241 = vector.broadcast %add3A_240 : f32 to vector<16xf32>
      %add3A_242 = arith.addf %convert_element_type3A, %add3A_241 : vector<16xf32>
      %masked_sort3A_243 = arith.constant dense<true> : vector<16xi1>
      %masked_sort3A_244, %masked_sort3A_245, %masked_sort3A_246 = tpu.sort %get3A_239, %add3A_242 masked %masked_sort3A_243 : (vector<16xf32>, vector<16xf32>, vector<16xi1>) -> (vector<16xi1>, vector<16xf32>, vector<16xf32>)
      %mul3A_247 = arith.constant 576 : i32
      %mul3A_248 = arith.muli %scan3A_14, %mul3A_247 : i32
      %add3A_249 = arith.constant 288 : i32
      %add3A_250 = arith.addi %mul3A_248, %add3A_249 : i32
      %get3A_251 = arith.index_cast %add3A_250 : i32 to index
      %get3A_252 = tpu.vector_load %arg5[%get3A_251] {strides = array<i32>} : memref<82944xf32, #tpu.memory_space<vmem>>, vector<16xf32>,
      %add3A_253 = arith.constant 2.880000e+02 : f32
      %add3A_254 = vector.broadcast %add3A_253 : f32 to vector<16xf32>
      %add3A_255 = arith.addf %convert_element_type3A, %add3A_254 : vector<16xf32>
      %masked_sort3A_256 = arith.constant dense<true> : vector<16xi1>
      %masked_sort3A_257, %masked_sort3A_258, %masked_sort3A_259 = tpu.sort %get3A_252, %add3A_255 masked %masked_sort3A_256 : (vector<16xf32>, vector<16xf32>, vector<16xi1>) -> (vector<16xi1>, vector<16xf32>, vector<16xf32>)
      %mul3A_260 = arith.constant 576 : i32
      %mul3A_261 = arith.muli %scan3A_14, %mul3A_260 : i32
      %add3A_262 = arith.constant 304 : i32
      %add3A_263 = arith.addi %mul3A_261, %add3A_262 : i32
      %get3A_264 = arith.index_cast %add3A_263 : i32 to index
      %get3A_265 = tpu.vector_load %arg5[%get3A_264] {strides = array<i32>} : memref<82944xf32, #tpu.memory_space<vmem>>, vector<16xf32>,
      %add3A_266 = arith.constant 3.040000e+02 : f32
      %add3A_267 = vector.broadcast %add3A_266 : f32 to vector<16xf32>
      %add3A_268 = arith.addf %convert_element_type3A, %add3A_267 : vector<16xf32>
      %masked_sort3A_269 = arith.constant dense<true> : vector<16xi1>
      %masked_sort3A_270, %masked_sort3A_271, %masked_sort3A_272 = tpu.sort %get3A_265, %add3A_268 masked %masked_sort3A_269 : (vector<16xf32>, vector<16xf32>, vector<16xi1>) -> (vector<16xi1>, vector<16xf32>, vector<16xf32>)
      %mul3A_273 = arith.constant 576 : i32
      %mul3A_274 = arith.muli %scan3A_14, %mul3A_273 : i32
      %add3A_275 = arith.constant 320 : i32
      %add3A_276 = arith.addi %mul3A_274, %add3A_275 : i32
      %get3A_277 = arith.index_cast %add3A_276 : i32 to index
      %get3A_278 = tpu.vector_load %arg5[%get3A_277] {strides = array<i32>} : memref<82944xf32, #tpu.memory_space<vmem>>, vector<16xf32>,
      %add3A_279 = arith.constant 3.200000e+02 : f32
      %add3A_280 = vector.broadcast %add3A_279 : f32 to vector<16xf32>
      %add3A_281 = arith.addf %convert_element_type3A, %add3A_280 : vector<16xf32>
      %masked_sort3A_282 = arith.constant dense<true> : vector<16xi1>
      %masked_sort3A_283, %masked_sort3A_284, %masked_sort3A_285 = tpu.sort %get3A_278, %add3A_281 masked %masked_sort3A_282 : (vector<16xf32>, vector<16xf32>, vector<16xi1>) -> (vector<16xi1>, vector<16xf32>, vector<16xf32>)
      %mul3A_286 = arith.constant 576 : i32
      %mul3A_287 = arith.muli %scan3A_14, %mul3A_286 : i32
      %add3A_288 = arith.constant 336 : i32
      %add3A_289 = arith.addi %mul3A_287, %add3A_288 : i32
      %get3A_290 = arith.index_cast %add3A_289 : i32 to index
      %get3A_291 = tpu.vector_load %arg5[%get3A_290] {strides = array<i32>} : memref<82944xf32, #tpu.memory_space<vmem>>, vector<16xf32>,
      %add3A_292 = arith.constant 3.360000e+02 : f32
      %add3A_293 = vector.broadcast %add3A_292 : f32 to vector<16xf32>
      %add3A_294 = arith.addf %convert_element_type3A, %add3A_293 : vector<16xf32>
      %masked_sort3A_295 = arith.constant dense<true> : vector<16xi1>
      %masked_sort3A_296, %masked_sort3A_297, %masked_sort3A_298 = tpu.sort %get3A_291, %add3A_294 masked %masked_sort3A_295 : (vector<16xf32>, vector<16xf32>, vector<16xi1>) -> (vector<16xi1>, vector<16xf32>, vector<16xf32>)
      %mul3A_299 = arith.constant 576 : i32
      %mul3A_300 = arith.muli %scan3A_14, %mul3A_299 : i32
      %add3A_301 = arith.constant 352 : i32
      %add3A_302 = arith.addi %mul3A_300, %add3A_301 : i32
      %get3A_303 = arith.index_cast %add3A_302 : i32 to index
      %get3A_304 = tpu.vector_load %arg5[%get3A_303] {strides = array<i32>} : memref<82944xf32, #tpu.memory_space<vmem>>, vector<16xf32>,
      %add3A_305 = arith.constant 3.520000e+02 : f32
      %add3A_306 = vector.broadcast %add3A_305 : f32 to vector<16xf32>
      %add3A_307 = arith.addf %convert_element_type3A, %add3A_306 : vector<16xf32>
      %masked_sort3A_308 = arith.constant dense<true> : vector<16xi1>
      %masked_sort3A_309, %masked_sort3A_310, %masked_sort3A_311 = tpu.sort %get3A_304, %add3A_307 masked %masked_sort3A_308 : (vector<16xf32>, vector<16xf32>, vector<16xi1>) -> (vector<16xi1>, vector<16xf32>, vector<16xf32>)
      %mul3A_312 = arith.constant 576 : i32
      %mul3A_313 = arith.muli %scan3A_14, %mul3A_312 : i32
      %add3A_314 = arith.constant 368 : i32
      %add3A_315 = arith.addi %mul3A_313, %add3A_314 : i32
      %get3A_316 = arith.index_cast %add3A_315 : i32 to index
      %get3A_317 = tpu.vector_load %arg5[%get3A_316] {strides = array<i32>} : memref<82944xf32, #tpu.memory_space<vmem>>, vector<16xf32>,
      %add3A_318 = arith.constant 3.680000e+02 : f32
      %add3A_319 = vector.broadcast %add3A_318 : f32 to vector<16xf32>
      %add3A_320 = arith.addf %convert_element_type3A, %add3A_319 : vector<16xf32>
      %masked_sort3A_321 = arith.constant dense<true> : vector<16xi1>
      %masked_sort3A_322, %masked_sort3A_323, %masked_sort3A_324 = tpu.sort %get3A_317, %add3A_320 masked %masked_sort3A_321 : (vector<16xf32>, vector<16xf32>, vector<16xi1>) -> (vector<16xi1>, vector<16xf32>, vector<16xf32>)
      %mul3A_325 = arith.constant 576 : i32
      %mul3A_326 = arith.muli %scan3A_14, %mul3A_325 : i32
      %add3A_327 = arith.constant 384 : i32
      %add3A_328 = arith.addi %mul3A_326, %add3A_327 : i32
      %get3A_329 = arith.index_cast %add3A_328 : i32 to index
      %get3A_330 = tpu.vector_load %arg5[%get3A_329] {strides = array<i32>} : memref<82944xf32, #tpu.memory_space<vmem>>, vector<16xf32>,
      %add3A_331 = arith.constant 3.840000e+02 : f32
      %add3A_332 = vector.broadcast %add3A_331 : f32 to vector<16xf32>
      %add3A_333 = arith.addf %convert_element_type3A, %add3A_332 : vector<16xf32>
      %masked_sort3A_334 = arith.constant dense<true> : vector<16xi1>
      %masked_sort3A_335, %masked_sort3A_336, %masked_sort3A_337 = tpu.sort %get3A_330, %add3A_333 masked %masked_sort3A_334 : (vector<16xf32>, vector<16xf32>, vector<16xi1>) -> (vector<16xi1>, vector<16xf32>, vector<16xf32>)
      %mul3A_338 = arith.constant 576 : i32
      %mul3A_339 = arith.muli %scan3A_14, %mul3A_338 : i32
      %add3A_340 = arith.constant 400 : i32
      %add3A_341 = arith.addi %mul3A_339, %add3A_340 : i32
      %get3A_342 = arith.index_cast %add3A_341 : i32 to index
      %get3A_343 = tpu.vector_load %arg5[%get3A_342] {strides = array<i32>} : memref<82944xf32, #tpu.memory_space<vmem>>, vector<16xf32>,
      %add3A_344 = arith.constant 4.000000e+02 : f32
      %add3A_345 = vector.broadcast %add3A_344 : f32 to vector<16xf32>
      %add3A_346 = arith.addf %convert_element_type3A, %add3A_345 : vector<16xf32>
      %masked_sort3A_347 = arith.constant dense<true> : vector<16xi1>
      %masked_sort3A_348, %masked_sort3A_349, %masked_sort3A_350 = tpu.sort %get3A_343, %add3A_346 masked %masked_sort3A_347 : (vector<16xf32>, vector<16xf32>, vector<16xi1>) -> (vector<16xi1>, vector<16xf32>, vector<16xf32>)
      %mul3A_351 = arith.constant 576 : i32
      %mul3A_352 = arith.muli %scan3A_14, %mul3A_351 : i32
      %add3A_353 = arith.constant 416 : i32
      %add3A_354 = arith.addi %mul3A_352, %add3A_353 : i32
      %get3A_355 = arith.index_cast %add3A_354 : i32 to index
      %get3A_356 = tpu.vector_load %arg5[%get3A_355] {strides = array<i32>} : memref<82944xf32, #tpu.memory_space<vmem>>, vector<16xf32>,
      %add3A_357 = arith.constant 4.160000e+02 : f32
      %add3A_358 = vector.broadcast %add3A_357 : f32 to vector<16xf32>
      %add3A_359 = arith.addf %convert_element_type3A, %add3A_358 : vector<16xf32>
      %masked_sort3A_360 = arith.constant dense<true> : vector<16xi1>
      %masked_sort3A_361, %masked_sort3A_362, %masked_sort3A_363 = tpu.sort %get3A_356, %add3A_359 masked %masked_sort3A_360 : (vector<16xf32>, vector<16xf32>, vector<16xi1>) -> (vector<16xi1>, vector<16xf32>, vector<16xf32>)
      %mul3A_364 = arith.constant 576 : i32
      %mul3A_365 = arith.muli %scan3A_14, %mul3A_364 : i32
      %add3A_366 = arith.constant 432 : i32
      %add3A_367 = arith.addi %mul3A_365, %add3A_366 : i32
      %get3A_368 = arith.index_cast %add3A_367 : i32 to index
      %get3A_369 = tpu.vector_load %arg5[%get3A_368] {strides = array<i32>} : memref<82944xf32, #tpu.memory_space<vmem>>, vector<16xf32>,
      %add3A_370 = arith.constant 4.320000e+02 : f32
      %add3A_371 = vector.broadcast %add3A_370 : f32 to vector<16xf32>
      %add3A_372 = arith.addf %convert_element_type3A, %add3A_371 : vector<16xf32>
      %masked_sort3A_373 = arith.constant dense<true> : vector<16xi1>
      %masked_sort3A_374, %masked_sort3A_375, %masked_sort3A_376 = tpu.sort %get3A_369, %add3A_372 masked %masked_sort3A_373 : (vector<16xf32>, vector<16xf32>, vector<16xi1>) -> (vector<16xi1>, vector<16xf32>, vector<16xf32>)
      %mul3A_377 = arith.constant 576 : i32
      %mul3A_378 = arith.muli %scan3A_14, %mul3A_377 : i32
      %add3A_379 = arith.constant 448 : i32
      %add3A_380 = arith.addi %mul3A_378, %add3A_379 : i32
      %get3A_381 = arith.index_cast %add3A_380 : i32 to index
      %get3A_382 = tpu.vector_load %arg5[%get3A_381] {strides = array<i32>} : memref<82944xf32, #tpu.memory_space<vmem>>, vector<16xf32>,
      %add3A_383 = arith.constant 4.480000e+02 : f32
      %add3A_384 = vector.broadcast %add3A_383 : f32 to vector<16xf32>
      %add3A_385 = arith.addf %convert_element_type3A, %add3A_384 : vector<16xf32>
      %masked_sort3A_386 = arith.constant dense<true> : vector<16xi1>
      %masked_sort3A_387, %masked_sort3A_388, %masked_sort3A_389 = tpu.sort %get3A_382, %add3A_385 masked %masked_sort3A_386 : (vector<16xf32>, vector<16xf32>, vector<16xi1>) -> (vector<16xi1>, vector<16xf32>, vector<16xf32>)
      %mul3A_390 = arith.constant 576 : i32
      %mul3A_391 = arith.muli %scan3A_14, %mul3A_390 : i32
      %add3A_392 = arith.constant 464 : i32
      %add3A_393 = arith.addi %mul3A_391, %add3A_392 : i32
      %get3A_394 = arith.index_cast %add3A_393 : i32 to index
      %get3A_395 = tpu.vector_load %arg5[%get3A_394] {strides = array<i32>} : memref<82944xf32, #tpu.memory_space<vmem>>, vector<16xf32>,
      %add3A_396 = arith.constant 4.640000e+02 : f32
      %add3A_397 = vector.broadcast %add3A_396 : f32 to vector<16xf32>
      %add3A_398 = arith.addf %convert_element_type3A, %add3A_397 : vector<16xf32>
      %masked_sort3A_399 = arith.constant dense<true> : vector<16xi1>
      %masked_sort3A_400, %masked_sort3A_401, %masked_sort3A_402 = tpu.sort %get3A_395, %add3A_398 masked %masked_sort3A_399 : (vector<16xf32>, vector<16xf32>, vector<16xi1>) -> (vector<16xi1>, vector<16xf32>, vector<16xf32>)
      %mul3A_403 = arith.constant 576 : i32
      %mul3A_404 = arith.muli %scan3A_14, %mul3A_403 : i32
      %add3A_405 = arith.constant 480 : i32
      %add3A_406 = arith.addi %mul3A_404, %add3A_405 : i32
      %get3A_407 = arith.index_cast %add3A_406 : i32 to index
      %get3A_408 = tpu.vector_load %arg5[%get3A_407] {strides = array<i32>} : memref<82944xf32, #tpu.memory_space<vmem>>, vector<16xf32>,
      %add3A_409 = arith.constant 4.800000e+02 : f32
      %add3A_410 = vector.broadcast %add3A_409 : f32 to vector<16xf32>
      %add3A_411 = arith.addf %convert_element_type3A, %add3A_410 : vector<16xf32>
      %masked_sort3A_412 = arith.constant dense<true> : vector<16xi1>
      %masked_sort3A_413, %masked_sort3A_414, %masked_sort3A_415 = tpu.sort %get3A_408, %add3A_411 masked %masked_sort3A_412 : (vector<16xf32>, vector<16xf32>, vector<16xi1>) -> (vector<16xi1>, vector<16xf32>, vector<16xf32>)
      %mul3A_416 = arith.constant 576 : i32
      %mul3A_417 = arith.muli %scan3A_14, %mul3A_416 : i32
      %add3A_418 = arith.constant 496 : i32
      %add3A_419 = arith.addi %mul3A_417, %add3A_418 : i32
      %get3A_420 = arith.index_cast %add3A_419 : i32 to index
      %get3A_421 = tpu.vector_load %arg5[%get3A_420] {strides = array<i32>} : memref<82944xf32, #tpu.memory_space<vmem>>, vector<16xf32>,
      %add3A_422 = arith.constant 4.960000e+02 : f32
      %add3A_423 = vector.broadcast %add3A_422 : f32 to vector<16xf32>
      %add3A_424 = arith.addf %convert_element_type3A, %add3A_423 : vector<16xf32>
      %masked_sort3A_425 = arith.constant dense<true> : vector<16xi1>
      %masked_sort3A_426, %masked_sort3A_427, %masked_sort3A_428 = tpu.sort %get3A_421, %add3A_424 masked %masked_sort3A_425 : (vector<16xf32>, vector<16xf32>, vector<16xi1>) -> (vector<16xi1>, vector<16xf32>, vector<16xf32>)
      %mul3A_429 = arith.constant 576 : i32
      %mul3A_430 = arith.muli %scan3A_14, %mul3A_429 : i32
      %add3A_431 = arith.constant 512 : i32
      %add3A_432 = arith.addi %mul3A_430, %add3A_431 : i32
      %get3A_433 = arith.index_cast %add3A_432 : i32 to index
      %get3A_434 = tpu.vector_load %arg5[%get3A_433] {strides = array<i32>} : memref<82944xf32, #tpu.memory_space<vmem>>, vector<16xf32>,
      %add3A_435 = arith.constant 5.120000e+02 : f32
      %add3A_436 = vector.broadcast %add3A_435 : f32 to vector<16xf32>
      %add3A_437 = arith.addf %convert_element_type3A, %add3A_436 : vector<16xf32>
      %masked_sort3A_438 = arith.constant dense<true> : vector<16xi1>
      %masked_sort3A_439, %masked_sort3A_440, %masked_sort3A_441 = tpu.sort %get3A_434, %add3A_437 masked %masked_sort3A_438 : (vector<16xf32>, vector<16xf32>, vector<16xi1>) -> (vector<16xi1>, vector<16xf32>, vector<16xf32>)
      %mul3A_442 = arith.constant 576 : i32
      %mul3A_443 = arith.muli %scan3A_14, %mul3A_442 : i32
      %add3A_444 = arith.constant 528 : i32
      %add3A_445 = arith.addi %mul3A_443, %add3A_444 : i32
      %get3A_446 = arith.index_cast %add3A_445 : i32 to index
      %get3A_447 = tpu.vector_load %arg5[%get3A_446] {strides = array<i32>} : memref<82944xf32, #tpu.memory_space<vmem>>, vector<16xf32>,
      %add3A_448 = arith.constant 5.280000e+02 : f32
      %add3A_449 = vector.broadcast %add3A_448 : f32 to vector<16xf32>
      %add3A_450 = arith.addf %convert_element_type3A, %add3A_449 : vector<16xf32>
      %masked_sort3A_451 = arith.constant dense<true> : vector<16xi1>
      %masked_sort3A_452, %masked_sort3A_453, %masked_sort3A_454 = tpu.sort %get3A_447, %add3A_450 masked %masked_sort3A_451 : (vector<16xf32>, vector<16xf32>, vector<16xi1>) -> (vector<16xi1>, vector<16xf32>, vector<16xf32>)
      %mul3A_455 = arith.constant 576 : i32
      %mul3A_456 = arith.muli %scan3A_14, %mul3A_455 : i32
      %add3A_457 = arith.constant 544 : i32
      %add3A_458 = arith.addi %mul3A_456, %add3A_457 : i32
      %get3A_459 = arith.index_cast %add3A_458 : i32 to index
      %get3A_460 = tpu.vector_load %arg5[%get3A_459] {strides = array<i32>} : memref<82944xf32, #tpu.memory_space<vmem>>, vector<16xf32>,
      %add3A_461 = arith.constant 5.440000e+02 : f32
      %add3A_462 = vector.broadcast %add3A_461 : f32 to vector<16xf32>
      %add3A_463 = arith.addf %convert_element_type3A, %add3A_462 : vector<16xf32>
      %masked_sort3A_464 = arith.constant dense<true> : vector<16xi1>
      %masked_sort3A_465, %masked_sort3A_466, %masked_sort3A_467 = tpu.sort %get3A_460, %add3A_463 masked %masked_sort3A_464 : (vector<16xf32>, vector<16xf32>, vector<16xi1>) -> (vector<16xi1>, vector<16xf32>, vector<16xf32>)
      %mul3A_468 = arith.constant 576 : i32
      %mul3A_469 = arith.muli %scan3A_14, %mul3A_468 : i32
      %add3A_470 = arith.constant 560 : i32
      %add3A_471 = arith.addi %mul3A_469, %add3A_470 : i32
      %get3A_472 = arith.index_cast %add3A_471 : i32 to index
      %get3A_473 = tpu.vector_load %arg5[%get3A_472] {strides = array<i32>} : memref<82944xf32, #tpu.memory_space<vmem>>, vector<16xf32>,
      %add3A_474 = arith.constant 5.600000e+02 : f32
      %add3A_475 = vector.broadcast %add3A_474 : f32 to vector<16xf32>
      %add3A_476 = arith.addf %convert_element_type3A, %add3A_475 : vector<16xf32>
      %masked_sort3A_477 = arith.constant dense<true> : vector<16xi1>
      %masked_sort3A_478, %masked_sort3A_479, %masked_sort3A_480 = tpu.sort %get3A_473, %add3A_476 masked %masked_sort3A_477 : (vector<16xf32>, vector<16xf32>, vector<16xi1>) -> (vector<16xi1>, vector<16xf32>, vector<16xf32>)
      %rev3A = arith.constant 15 : i32
      %rev3A_481 = vector.broadcast %rev3A : i32 to vector<16xi32>
      %rev3A_482 = tpu.iota {dimensions = array<i32: 0>} : vector<16xi32>
      %rev3A_483 = arith.subi %rev3A_481, %rev3A_482 : vector<16xi32>
      %rev3A_484 = tpu.dynamic_gather %masked_sort3A_37[%rev3A_483] in [0] : vector<16xf32>, vector<16xi32> -> vector<16xf32>
      %rev3A_485 = arith.constant 15 : i32
      %rev3A_486 = vector.broadcast %rev3A_485 : i32 to vector<16xi32>
      %rev3A_487 = tpu.iota {dimensions = array<i32: 0>} : vector<16xi32>
      %rev3A_488 = arith.subi %rev3A_486, %rev3A_487 : vector<16xi32>
      %rev3A_489 = tpu.dynamic_gather %masked_sort3A_38[%rev3A_488] in [0] : vector<16xf32>, vector<16xi32> -> vector<16xf32>
      %le3A = arith.cmpf ole, %masked_sort3A_24, %rev3A_484 : vector<16xf32>
      %select_n3A = arith.select %le3A, %masked_sort3A_24, %rev3A_484 : vector<16xi1>, vector<16xf32>
      %select_n3A_490 = arith.select %le3A, %masked_sort3A_25, %rev3A_489 : vector<16xi1>, vector<16xf32>
      %masked_sort3A_491 = arith.constant dense<true> : vector<16xi1>
      %masked_sort3A_492, %masked_sort3A_493, %masked_sort3A_494 = tpu.sort %select_n3A, %select_n3A_490 masked %masked_sort3A_491 : (vector<16xf32>, vector<16xf32>, vector<16xi1>) -> (vector<16xi1>, vector<16xf32>, vector<16xf32>)
      %rev3A_495 = arith.constant 15 : i32
      %rev3A_496 = vector.broadcast %rev3A_495 : i32 to vector<16xi32>
      %rev3A_497 = tpu.iota {dimensions = array<i32: 0>} : vector<16xi32>
      %rev3A_498 = arith.subi %rev3A_496, %rev3A_497 : vector<16xi32>
      %rev3A_499 = tpu.dynamic_gather %masked_sort3A_63[%rev3A_498] in [0] : vector<16xf32>, vector<16xi32> -> vector<16xf32>
      %rev3A_500 = arith.constant 15 : i32
      %rev3A_501 = vector.broadcast %rev3A_500 : i32 to vector<16xi32>
      %rev3A_502 = tpu.iota {dimensions = array<i32: 0>} : vector<16xi32>
      %rev3A_503 = arith.subi %rev3A_501, %rev3A_502 : vector<16xi32>
      %rev3A_504 = tpu.dynamic_gather %masked_sort3A_64[%rev3A_503] in [0] : vector<16xf32>, vector<16xi32> -> vector<16xf32>
      %le3A_505 = arith.cmpf ole, %masked_sort3A_50, %rev3A_499 : vector<16xf32>
      %select_n3A_506 = arith.select %le3A_505, %masked_sort3A_50, %rev3A_499 : vector<16xi1>, vector<16xf32>
      %select_n3A_507 = arith.select %le3A_505, %masked_sort3A_51, %rev3A_504 : vector<16xi1>, vector<16xf32>
      %masked_sort3A_508 = arith.constant dense<true> : vector<16xi1>
      %masked_sort3A_509, %masked_sort3A_510, %masked_sort3A_511 = tpu.sort %select_n3A_506, %select_n3A_507 masked %masked_sort3A_508 : (vector<16xf32>, vector<16xf32>, vector<16xi1>) -> (vector<16xi1>, vector<16xf32>, vector<16xf32>)
      %rev3A_512 = arith.constant 15 : i32
      %rev3A_513 = vector.broadcast %rev3A_512 : i32 to vector<16xi32>
      %rev3A_514 = tpu.iota {dimensions = array<i32: 0>} : vector<16xi32>
      %rev3A_515 = arith.subi %rev3A_513, %rev3A_514 : vector<16xi32>
      %rev3A_516 = tpu.dynamic_gather %masked_sort3A_89[%rev3A_515] in [0] : vector<16xf32>, vector<16xi32> -> vector<16xf32>
      %rev3A_517 = arith.constant 15 : i32
      %rev3A_518 = vector.broadcast %rev3A_517 : i32 to vector<16xi32>
      %rev3A_519 = tpu.iota {dimensions = array<i32: 0>} : vector<16xi32>
      %rev3A_520 = arith.subi %rev3A_518, %rev3A_519 : vector<16xi32>
      %rev3A_521 = tpu.dynamic_gather %masked_sort3A_90[%rev3A_520] in [0] : vector<16xf32>, vector<16xi32> -> vector<16xf32>
      %le3A_522 = arith.cmpf ole, %masked_sort3A_76, %rev3A_516 : vector<16xf32>
      %select_n3A_523 = arith.select %le3A_522, %masked_sort3A_76, %rev3A_516 : vector<16xi1>, vector<16xf32>
      %select_n3A_524 = arith.select %le3A_522, %masked_sort3A_77, %rev3A_521 : vector<16xi1>, vector<16xf32>
      %masked_sort3A_525 = arith.constant dense<true> : vector<16xi1>
      %masked_sort3A_526, %masked_sort3A_527, %masked_sort3A_528 = tpu.sort %select_n3A_523, %select_n3A_524 masked %masked_sort3A_525 : (vector<16xf32>, vector<16xf32>, vector<16xi1>) -> (vector<16xi1>, vector<16xf32>, vector<16xf32>)
      %rev3A_529 = arith.constant 15 : i32
      %rev3A_530 = vector.broadcast %rev3A_529 : i32 to vector<16xi32>
      %rev3A_531 = tpu.iota {dimensions = array<i32: 0>} : vector<16xi32>
      %rev3A_532 = arith.subi %rev3A_530, %rev3A_531 : vector<16xi32>
      %rev3A_533 = tpu.dynamic_gather %masked_sort3A_115[%rev3A_532] in [0] : vector<16xf32>, vector<16xi32> -> vector<16xf32>
      %rev3A_534 = arith.constant 15 : i32
      %rev3A_535 = vector.broadcast %rev3A_534 : i32 to vector<16xi32>
      %rev3A_536 = tpu.iota {dimensions = array<i32: 0>} : vector<16xi32>
      %rev3A_537 = arith.subi %rev3A_535, %rev3A_536 : vector<16xi32>
      %rev3A_538 = tpu.dynamic_gather %masked_sort3A_116[%rev3A_537] in [0] : vector<16xf32>, vector<16xi32> -> vector<16xf32>
      %le3A_539 = arith.cmpf ole, %masked_sort3A_102, %rev3A_533 : vector<16xf32>
      %select_n3A_540 = arith.select %le3A_539, %masked_sort3A_102, %rev3A_533 : vector<16xi1>, vector<16xf32>
      %select_n3A_541 = arith.select %le3A_539, %masked_sort3A_103, %rev3A_538 : vector<16xi1>, vector<16xf32>
      %masked_sort3A_542 = arith.constant dense<true> : vector<16xi1>
      %masked_sort3A_543, %masked_sort3A_544, %masked_sort3A_545 = tpu.sort %select_n3A_540, %select_n3A_541 masked %masked_sort3A_542 : (vector<16xf32>, vector<16xf32>, vector<16xi1>) -> (vector<16xi1>, vector<16xf32>, vector<16xf32>)
      %rev3A_546 = arith.constant 15 : i32
      %rev3A_547 = vector.broadcast %rev3A_546 : i32 to vector<16xi32>
      %rev3A_548 = tpu.iota {dimensions = array<i32: 0>} : vector<16xi32>
      %rev3A_549 = arith.subi %rev3A_547, %rev3A_548 : vector<16xi32>
      %rev3A_550 = tpu.dynamic_gather %masked_sort3A_141[%rev3A_549] in [0] : vector<16xf32>, vector<16xi32> -> vector<16xf32>
      %rev3A_551 = arith.constant 15 : i32
      %rev3A_552 = vector.broadcast %rev3A_551 : i32 to vector<16xi32>
      %rev3A_553 = tpu.iota {dimensions = array<i32: 0>} : vector<16xi32>
      %rev3A_554 = arith.subi %rev3A_552, %rev3A_553 : vector<16xi32>
      %rev3A_555 = tpu.dynamic_gather %masked_sort3A_142[%rev3A_554] in [0] : vector<16xf32>, vector<16xi32> -> vector<16xf32>
      %le3A_556 = arith.cmpf ole, %masked_sort3A_128, %rev3A_550 : vector<16xf32>
      %select_n3A_557 = arith.select %le3A_556, %masked_sort3A_128, %rev3A_550 : vector<16xi1>, vector<16xf32>
      %select_n3A_558 = arith.select %le3A_556, %masked_sort3A_129, %rev3A_555 : vector<16xi1>, vector<16xf32>
      %masked_sort3A_559 = arith.constant dense<true> : vector<16xi1>
      %masked_sort3A_560, %masked_sort3A_561, %masked_sort3A_562 = tpu.sort %select_n3A_557, %select_n3A_558 masked %masked_sort3A_559 : (vector<16xf32>, vector<16xf32>, vector<16xi1>) -> (vector<16xi1>, vector<16xf32>, vector<16xf32>)
      %rev3A_563 = arith.constant 15 : i32
      %rev3A_564 = vector.broadcast %rev3A_563 : i32 to vector<16xi32>
      %rev3A_565 = tpu.iota {dimensions = array<i32: 0>} : vector<16xi32>
      %rev3A_566 = arith.subi %rev3A_564, %rev3A_565 : vector<16xi32>
      %rev3A_567 = tpu.dynamic_gather %masked_sort3A_167[%rev3A_566] in [0] : vector<16xf32>, vector<16xi32> -> vector<16xf32>
      %rev3A_568 = arith.constant 15 : i32
      %rev3A_569 = vector.broadcast %rev3A_568 : i32 to vector<16xi32>
      %rev3A_570 = tpu.iota {dimensions = array<i32: 0>} : vector<16xi32>
      %rev3A_571 = arith.subi %rev3A_569, %rev3A_570 : vector<16xi32>
      %rev3A_572 = tpu.dynamic_gather %masked_sort3A_168[%rev3A_571] in [0] : vector<16xf32>, vector<16xi32> -> vector<16xf32>
      %le3A_573 = arith.cmpf ole, %masked_sort3A_154, %rev3A_567 : vector<16xf32>
      %select_n3A_574 = arith.select %le3A_573, %masked_sort3A_154, %rev3A_567 : vector<16xi1>, vector<16xf32>
      %select_n3A_575 = arith.select %le3A_573, %masked_sort3A_155, %rev3A_572 : vector<16xi1>, vector<16xf32>
      %masked_sort3A_576 = arith.constant dense<true> : vector<16xi1>
      %masked_sort3A_577, %masked_sort3A_578, %masked_sort3A_579 = tpu.sort %select_n3A_574, %select_n3A_575 masked %masked_sort3A_576 : (vector<16xf32>, vector<16xf32>, vector<16xi1>) -> (vector<16xi1>, vector<16xf32>, vector<16xf32>)
      %rev3A_580 = arith.constant 15 : i32
      %rev3A_581 = vector.broadcast %rev3A_580 : i32 to vector<16xi32>
      %rev3A_582 = tpu.iota {dimensions = array<i32: 0>} : vector<16xi32>
      %rev3A_583 = arith.subi %rev3A_581, %rev3A_582 : vector<16xi32>
      %rev3A_584 = tpu.dynamic_gather %masked_sort3A_193[%rev3A_583] in [0] : vector<16xf32>, vector<16xi32> -> vector<16xf32>
      %rev3A_585 = arith.constant 15 : i32
      %rev3A_586 = vector.broadcast %rev3A_585 : i32 to vector<16xi32>
      %rev3A_587 = tpu.iota {dimensions = array<i32: 0>} : vector<16xi32>
      %rev3A_588 = arith.subi %rev3A_586, %rev3A_587 : vector<16xi32>
      %rev3A_589 = tpu.dynamic_gather %masked_sort3A_194[%rev3A_588] in [0] : vector<16xf32>, vector<16xi32> -> vector<16xf32>
      %le3A_590 = arith.cmpf ole, %masked_sort3A_180, %rev3A_584 : vector<16xf32>
      %select_n3A_591 = arith.select %le3A_590, %masked_sort3A_180, %rev3A_584 : vector<16xi1>, vector<16xf32>
      %select_n3A_592 = arith.select %le3A_590, %masked_sort3A_181, %rev3A_589 : vector<16xi1>, vector<16xf32>
      %masked_sort3A_593 = arith.constant dense<true> : vector<16xi1>
      %masked_sort3A_594, %masked_sort3A_595, %masked_sort3A_596 = tpu.sort %select_n3A_591, %select_n3A_592 masked %masked_sort3A_593 : (vector<16xf32>, vector<16xf32>, vector<16xi1>) -> (vector<16xi1>, vector<16xf32>, vector<16xf32>)
      %rev3A_597 = arith.constant 15 : i32
      %rev3A_598 = vector.broadcast %rev3A_597 : i32 to vector<16xi32>
      %rev3A_599 = tpu.iota {dimensions = array<i32: 0>} : vector<16xi32>
      %rev3A_600 = arith.subi %rev3A_598, %rev3A_599 : vector<16xi32>
      %rev3A_601 = tpu.dynamic_gather %masked_sort3A_219[%rev3A_600] in [0] : vector<16xf32>, vector<16xi32> -> vector<16xf32>
      %rev3A_602 = arith.constant 15 : i32
      %rev3A_603 = vector.broadcast %rev3A_602 : i32 to vector<16xi32>
      %rev3A_604 = tpu.iota {dimensions = array<i32: 0>} : vector<16xi32>
      %rev3A_605 = arith.subi %rev3A_603, %rev3A_604 : vector<16xi32>
      %rev3A_606 = tpu.dynamic_gather %masked_sort3A_220[%rev3A_605] in [0] : vector<16xf32>, vector<16xi32> -> vector<16xf32>
      %le3A_607 = arith.cmpf ole, %masked_sort3A_206, %rev3A_601 : vector<16xf32>
      %select_n3A_608 = arith.select %le3A_607, %masked_sort3A_206, %rev3A_601 : vector<16xi1>, vector<16xf32>
      %select_n3A_609 = arith.select %le3A_607, %masked_sort3A_207, %rev3A_606 : vector<16xi1>, vector<16xf32>
      %masked_sort3A_610 = arith.constant dense<true> : vector<16xi1>
      %masked_sort3A_611, %masked_sort3A_612, %masked_sort3A_613 = tpu.sort %select_n3A_608, %select_n3A_609 masked %masked_sort3A_610 : (vector<16xf32>, vector<16xf32>, vector<16xi1>) -> (vector<16xi1>, vector<16xf32>, vector<16xf32>)
      %rev3A_614 = arith.constant 15 : i32
      %rev3A_615 = vector.broadcast %rev3A_614 : i32 to vector<16xi32>
      %rev3A_616 = tpu.iota {dimensions = array<i32: 0>} : vector<16xi32>
      %rev3A_617 = arith.subi %rev3A_615, %rev3A_616 : vector<16xi32>
      %rev3A_618 = tpu.dynamic_gather %masked_sort3A_245[%rev3A_617] in [0] : vector<16xf32>, vector<16xi32> -> vector<16xf32>
      %rev3A_619 = arith.constant 15 : i32
      %rev3A_620 = vector.broadcast %rev3A_619 : i32 to vector<16xi32>
      %rev3A_621 = tpu.iota {dimensions = array<i32: 0>} : vector<16xi32>
      %rev3A_622 = arith.subi %rev3A_620, %rev3A_621 : vector<16xi32>
      %rev3A_623 = tpu.dynamic_gather %masked_sort3A_246[%rev3A_622] in [0] : vector<16xf32>, vector<16xi32> -> vector<16xf32>
      %le3A_624 = arith.cmpf ole, %masked_sort3A_232, %rev3A_618 : vector<16xf32>
      %select_n3A_625 = arith.select %le3A_624, %masked_sort3A_232, %rev3A_618 : vector<16xi1>, vector<16xf32>
      %select_n3A_626 = arith.select %le3A_624, %masked_sort3A_233, %rev3A_623 : vector<16xi1>, vector<16xf32>
      %masked_sort3A_627 = arith.constant dense<true> : vector<16xi1>
      %masked_sort3A_628, %masked_sort3A_629, %masked_sort3A_630 = tpu.sort %select_n3A_625, %select_n3A_626 masked %masked_sort3A_627 : (vector<16xf32>, vector<16xf32>, vector<16xi1>) -> (vector<16xi1>, vector<16xf32>, vector<16xf32>)
      %rev3A_631 = arith.constant 15 : i32
      %rev3A_632 = vector.broadcast %rev3A_631 : i32 to vector<16xi32>
      %rev3A_633 = tpu.iota {dimensions = array<i32: 0>} : vector<16xi32>
      %rev3A_634 = arith.subi %rev3A_632, %rev3A_633 : vector<16xi32>
      %rev3A_635 = tpu.dynamic_gather %masked_sort3A_271[%rev3A_634] in [0] : vector<16xf32>, vector<16xi32> -> vector<16xf32>
      %rev3A_636 = arith.constant 15 : i32
      %rev3A_637 = vector.broadcast %rev3A_636 : i32 to vector<16xi32>
      %rev3A_638 = tpu.iota {dimensions = array<i32: 0>} : vector<16xi32>
      %rev3A_639 = arith.subi %rev3A_637, %rev3A_638 : vector<16xi32>
      %rev3A_640 = tpu.dynamic_gather %masked_sort3A_272[%rev3A_639] in [0] : vector<16xf32>, vector<16xi32> -> vector<16xf32>
      %le3A_641 = arith.cmpf ole, %masked_sort3A_258, %rev3A_635 : vector<16xf32>
      %select_n3A_642 = arith.select %le3A_641, %masked_sort3A_258, %rev3A_635 : vector<16xi1>, vector<16xf32>
      %select_n3A_643 = arith.select %le3A_641, %masked_sort3A_259, %rev3A_640 : vector<16xi1>, vector<16xf32>
      %masked_sort3A_644 = arith.constant dense<true> : vector<16xi1>
      %masked_sort3A_645, %masked_sort3A_646, %masked_sort3A_647 = tpu.sort %select_n3A_642, %select_n3A_643 masked %masked_sort3A_644 : (vector<16xf32>, vector<16xf32>, vector<16xi1>) -> (vector<16xi1>, vector<16xf32>, vector<16xf32>)
      %rev3A_648 = arith.constant 15 : i32
      %rev3A_649 = vector.broadcast %rev3A_648 : i32 to vector<16xi32>
      %rev3A_650 = tpu.iota {dimensions = array<i32: 0>} : vector<16xi32>
      %rev3A_651 = arith.subi %rev3A_649, %rev3A_650 : vector<16xi32>
      %rev3A_652 = tpu.dynamic_gather %masked_sort3A_297[%rev3A_651] in [0] : vector<16xf32>, vector<16xi32> -> vector<16xf32>
      %rev3A_653 = arith.constant 15 : i32
      %rev3A_654 = vector.broadcast %rev3A_653 : i32 to vector<16xi32>
      %rev3A_655 = tpu.iota {dimensions = array<i32: 0>} : vector<16xi32>
      %rev3A_656 = arith.subi %rev3A_654, %rev3A_655 : vector<16xi32>
      %rev3A_657 = tpu.dynamic_gather %masked_sort3A_298[%rev3A_656] in [0] : vector<16xf32>, vector<16xi32> -> vector<16xf32>
      %le3A_658 = arith.cmpf ole, %masked_sort3A_284, %rev3A_652 : vector<16xf32>
      %select_n3A_659 = arith.select %le3A_658, %masked_sort3A_284, %rev3A_652 : vector<16xi1>, vector<16xf32>
      %select_n3A_660 = arith.select %le3A_658, %masked_sort3A_285, %rev3A_657 : vector<16xi1>, vector<16xf32>
      %masked_sort3A_661 = arith.constant dense<true> : vector<16xi1>
      %masked_sort3A_662, %masked_sort3A_663, %masked_sort3A_664 = tpu.sort %select_n3A_659, %select_n3A_660 masked %masked_sort3A_661 : (vector<16xf32>, vector<16xf32>, vector<16xi1>) -> (vector<16xi1>, vector<16xf32>, vector<16xf32>)
      %rev3A_665 = arith.constant 15 : i32
      %rev3A_666 = vector.broadcast %rev3A_665 : i32 to vector<16xi32>
      %rev3A_667 = tpu.iota {dimensions = array<i32: 0>} : vector<16xi32>
      %rev3A_668 = arith.subi %rev3A_666, %rev3A_667 : vector<16xi32>
      %rev3A_669 = tpu.dynamic_gather %masked_sort3A_323[%rev3A_668] in [0] : vector<16xf32>, vector<16xi32> -> vector<16xf32>
      %rev3A_670 = arith.constant 15 : i32
      %rev3A_671 = vector.broadcast %rev3A_670 : i32 to vector<16xi32>
      %rev3A_672 = tpu.iota {dimensions = array<i32: 0>} : vector<16xi32>
      %rev3A_673 = arith.subi %rev3A_671, %rev3A_672 : vector<16xi32>
      %rev3A_674 = tpu.dynamic_gather %masked_sort3A_324[%rev3A_673] in [0] : vector<16xf32>, vector<16xi32> -> vector<16xf32>
      %le3A_675 = arith.cmpf ole, %masked_sort3A_310, %rev3A_669 : vector<16xf32>
      %select_n3A_676 = arith.select %le3A_675, %masked_sort3A_310, %rev3A_669 : vector<16xi1>, vector<16xf32>
      %select_n3A_677 = arith.select %le3A_675, %masked_sort3A_311, %rev3A_674 : vector<16xi1>, vector<16xf32>
      %masked_sort3A_678 = arith.constant dense<true> : vector<16xi1>
      %masked_sort3A_679, %masked_sort3A_680, %masked_sort3A_681 = tpu.sort %select_n3A_676, %select_n3A_677 masked %masked_sort3A_678 : (vector<16xf32>, vector<16xf32>, vector<16xi1>) -> (vector<16xi1>, vector<16xf32>, vector<16xf32>)
      %rev3A_682 = arith.constant 15 : i32
      %rev3A_683 = vector.broadcast %rev3A_682 : i32 to vector<16xi32>
      %rev3A_684 = tpu.iota {dimensions = array<i32: 0>} : vector<16xi32>
      %rev3A_685 = arith.subi %rev3A_683, %rev3A_684 : vector<16xi32>
      %rev3A_686 = tpu.dynamic_gather %masked_sort3A_349[%rev3A_685] in [0] : vector<16xf32>, vector<16xi32> -> vector<16xf32>
      %rev3A_687 = arith.constant 15 : i32
      %rev3A_688 = vector.broadcast %rev3A_687 : i32 to vector<16xi32>
      %rev3A_689 = tpu.iota {dimensions = array<i32: 0>} : vector<16xi32>
      %rev3A_690 = arith.subi %rev3A_688, %rev3A_689 : vector<16xi32>
      %rev3A_691 = tpu.dynamic_gather %masked_sort3A_350[%rev3A_690] in [0] : vector<16xf32>, vector<16xi32> -> vector<16xf32>
      %le3A_692 = arith.cmpf ole, %masked_sort3A_336, %rev3A_686 : vector<16xf32>
      %select_n3A_693 = arith.select %le3A_692, %masked_sort3A_336, %rev3A_686 : vector<16xi1>, vector<16xf32>
      %select_n3A_694 = arith.select %le3A_692, %masked_sort3A_337, %rev3A_691 : vector<16xi1>, vector<16xf32>
      %masked_sort3A_695 = arith.constant dense<true> : vector<16xi1>
      %masked_sort3A_696, %masked_sort3A_697, %masked_sort3A_698 = tpu.sort %select_n3A_693, %select_n3A_694 masked %masked_sort3A_695 : (vector<16xf32>, vector<16xf32>, vector<16xi1>) -> (vector<16xi1>, vector<16xf32>, vector<16xf32>)
      %rev3A_699 = arith.constant 15 : i32
      %rev3A_700 = vector.broadcast %rev3A_699 : i32 to vector<16xi32>
      %rev3A_701 = tpu.iota {dimensions = array<i32: 0>} : vector<16xi32>
      %rev3A_702 = arith.subi %rev3A_700, %rev3A_701 : vector<16xi32>
      %rev3A_703 = tpu.dynamic_gather %masked_sort3A_375[%rev3A_702] in [0] : vector<16xf32>, vector<16xi32> -> vector<16xf32>
      %rev3A_704 = arith.constant 15 : i32
      %rev3A_705 = vector.broadcast %rev3A_704 : i32 to vector<16xi32>
      %rev3A_706 = tpu.iota {dimensions = array<i32: 0>} : vector<16xi32>
      %rev3A_707 = arith.subi %rev3A_705, %rev3A_706 : vector<16xi32>
      %rev3A_708 = tpu.dynamic_gather %masked_sort3A_376[%rev3A_707] in [0] : vector<16xf32>, vector<16xi32> -> vector<16xf32>
      %le3A_709 = arith.cmpf ole, %masked_sort3A_362, %rev3A_703 : vector<16xf32>
      %select_n3A_710 = arith.select %le3A_709, %masked_sort3A_362, %rev3A_703 : vector<16xi1>, vector<16xf32>
      %select_n3A_711 = arith.select %le3A_709, %masked_sort3A_363, %rev3A_708 : vector<16xi1>, vector<16xf32>
      %masked_sort3A_712 = arith.constant dense<true> : vector<16xi1>
      %masked_sort3A_713, %masked_sort3A_714, %masked_sort3A_715 = tpu.sort %select_n3A_710, %select_n3A_711 masked %masked_sort3A_712 : (vector<16xf32>, vector<16xf32>, vector<16xi1>) -> (vector<16xi1>, vector<16xf32>, vector<16xf32>)
      %rev3A_716 = arith.constant 15 : i32
      %rev3A_717 = vector.broadcast %rev3A_716 : i32 to vector<16xi32>
      %rev3A_718 = tpu.iota {dimensions = array<i32: 0>} : vector<16xi32>
      %rev3A_719 = arith.subi %rev3A_717, %rev3A_718 : vector<16xi32>
      %rev3A_720 = tpu.dynamic_gather %masked_sort3A_401[%rev3A_719] in [0] : vector<16xf32>, vector<16xi32> -> vector<16xf32>
      %rev3A_721 = arith.constant 15 : i32
      %rev3A_722 = vector.broadcast %rev3A_721 : i32 to vector<16xi32>
      %rev3A_723 = tpu.iota {dimensions = array<i32: 0>} : vector<16xi32>
      %rev3A_724 = arith.subi %rev3A_722, %rev3A_723 : vector<16xi32>
      %rev3A_725 = tpu.dynamic_gather %masked_sort3A_402[%rev3A_724] in [0] : vector<16xf32>, vector<16xi32> -> vector<16xf32>
      %le3A_726 = arith.cmpf ole, %masked_sort3A_388, %rev3A_720 : vector<16xf32>
      %select_n3A_727 = arith.select %le3A_726, %masked_sort3A_388, %rev3A_720 : vector<16xi1>, vector<16xf32>
      %select_n3A_728 = arith.select %le3A_726, %masked_sort3A_389, %rev3A_725 : vector<16xi1>, vector<16xf32>
      %masked_sort3A_729 = arith.constant dense<true> : vector<16xi1>
      %masked_sort3A_730, %masked_sort3A_731, %masked_sort3A_732 = tpu.sort %select_n3A_727, %select_n3A_728 masked %masked_sort3A_729 : (vector<16xf32>, vector<16xf32>, vector<16xi1>) -> (vector<16xi1>, vector<16xf32>, vector<16xf32>)
      %rev3A_733 = arith.constant 15 : i32
      %rev3A_734 = vector.broadcast %rev3A_733 : i32 to vector<16xi32>
      %rev3A_735 = tpu.iota {dimensions = array<i32: 0>} : vector<16xi32>
      %rev3A_736 = arith.subi %rev3A_734, %rev3A_735 : vector<16xi32>
      %rev3A_737 = tpu.dynamic_gather %masked_sort3A_427[%rev3A_736] in [0] : vector<16xf32>, vector<16xi32> -> vector<16xf32>
      %rev3A_738 = arith.constant 15 : i32
      %rev3A_739 = vector.broadcast %rev3A_738 : i32 to vector<16xi32>
      %rev3A_740 = tpu.iota {dimensions = array<i32: 0>} : vector<16xi32>
      %rev3A_741 = arith.subi %rev3A_739, %rev3A_740 : vector<16xi32>
      %rev3A_742 = tpu.dynamic_gather %masked_sort3A_428[%rev3A_741] in [0] : vector<16xf32>, vector<16xi32> -> vector<16xf32>
      %le3A_743 = arith.cmpf ole, %masked_sort3A_414, %rev3A_737 : vector<16xf32>
      %select_n3A_744 = arith.select %le3A_743, %masked_sort3A_414, %rev3A_737 : vector<16xi1>, vector<16xf32>
      %select_n3A_745 = arith.select %le3A_743, %masked_sort3A_415, %rev3A_742 : vector<16xi1>, vector<16xf32>
      %masked_sort3A_746 = arith.constant dense<true> : vector<16xi1>
      %masked_sort3A_747, %masked_sort3A_748, %masked_sort3A_749 = tpu.sort %select_n3A_744, %select_n3A_745 masked %masked_sort3A_746 : (vector<16xf32>, vector<16xf32>, vector<16xi1>) -> (vector<16xi1>, vector<16xf32>, vector<16xf32>)
      %rev3A_750 = arith.constant 15 : i32
      %rev3A_751 = vector.broadcast %rev3A_750 : i32 to vector<16xi32>
      %rev3A_752 = tpu.iota {dimensions = array<i32: 0>} : vector<16xi32>
      %rev3A_753 = arith.subi %rev3A_751, %rev3A_752 : vector<16xi32>
      %rev3A_754 = tpu.dynamic_gather %masked_sort3A_453[%rev3A_753] in [0] : vector<16xf32>, vector<16xi32> -> vector<16xf32>
      %rev3A_755 = arith.constant 15 : i32
      %rev3A_756 = vector.broadcast %rev3A_755 : i32 to vector<16xi32>
      %rev3A_757 = tpu.iota {dimensions = array<i32: 0>} : vector<16xi32>
      %rev3A_758 = arith.subi %rev3A_756, %rev3A_757 : vector<16xi32>
      %rev3A_759 = tpu.dynamic_gather %masked_sort3A_454[%rev3A_758] in [0] : vector<16xf32>, vector<16xi32> -> vector<16xf32>
      %le3A_760 = arith.cmpf ole, %masked_sort3A_440, %rev3A_754 : vector<16xf32>
      %select_n3A_761 = arith.select %le3A_760, %masked_sort3A_440, %rev3A_754 : vector<16xi1>, vector<16xf32>
      %select_n3A_762 = arith.select %le3A_760, %masked_sort3A_441, %rev3A_759 : vector<16xi1>, vector<16xf32>
      %masked_sort3A_763 = arith.constant dense<true> : vector<16xi1>
      %masked_sort3A_764, %masked_sort3A_765, %masked_sort3A_766 = tpu.sort %select_n3A_761, %select_n3A_762 masked %masked_sort3A_763 : (vector<16xf32>, vector<16xf32>, vector<16xi1>) -> (vector<16xi1>, vector<16xf32>, vector<16xf32>)
      %rev3A_767 = arith.constant 15 : i32
      %rev3A_768 = vector.broadcast %rev3A_767 : i32 to vector<16xi32>
      %rev3A_769 = tpu.iota {dimensions = array<i32: 0>} : vector<16xi32>
      %rev3A_770 = arith.subi %rev3A_768, %rev3A_769 : vector<16xi32>
      %rev3A_771 = tpu.dynamic_gather %masked_sort3A_479[%rev3A_770] in [0] : vector<16xf32>, vector<16xi32> -> vector<16xf32>
      %rev3A_772 = arith.constant 15 : i32
      %rev3A_773 = vector.broadcast %rev3A_772 : i32 to vector<16xi32>
      %rev3A_774 = tpu.iota {dimensions = array<i32: 0>} : vector<16xi32>
      %rev3A_775 = arith.subi %rev3A_773, %rev3A_774 : vector<16xi32>
      %rev3A_776 = tpu.dynamic_gather %masked_sort3A_480[%rev3A_775] in [0] : vector<16xf32>, vector<16xi32> -> vector<16xf32>
      %le3A_777 = arith.cmpf ole, %masked_sort3A_466, %rev3A_771 : vector<16xf32>
      %select_n3A_778 = arith.select %le3A_777, %masked_sort3A_466, %rev3A_771 : vector<16xi1>, vector<16xf32>
      %select_n3A_779 = arith.select %le3A_777, %masked_sort3A_467, %rev3A_776 : vector<16xi1>, vector<16xf32>
      %masked_sort3A_780 = arith.constant dense<true> : vector<16xi1>
      %masked_sort3A_781, %masked_sort3A_782, %masked_sort3A_783 = tpu.sort %select_n3A_778, %select_n3A_779 masked %masked_sort3A_780 : (vector<16xf32>, vector<16xf32>, vector<16xi1>) -> (vector<16xi1>, vector<16xf32>, vector<16xf32>)
      %rev3A_784 = arith.constant 15 : i32
      %rev3A_785 = vector.broadcast %rev3A_784 : i32 to vector<16xi32>
      %rev3A_786 = tpu.iota {dimensions = array<i32: 0>} : vector<16xi32>
      %rev3A_787 = arith.subi %rev3A_785, %rev3A_786 : vector<16xi32>
      %rev3A_788 = tpu.dynamic_gather %masked_sort3A_510[%rev3A_787] in [0] : vector<16xf32>, vector<16xi32> -> vector<16xf32>
      %rev3A_789 = arith.constant 15 : i32
      %rev3A_790 = vector.broadcast %rev3A_789 : i32 to vector<16xi32>
      %rev3A_791 = tpu.iota {dimensions = array<i32: 0>} : vector<16xi32>
      %rev3A_792 = arith.subi %rev3A_790, %rev3A_791 : vector<16xi32>
      %rev3A_793 = tpu.dynamic_gather %masked_sort3A_511[%rev3A_792] in [0] : vector<16xf32>, vector<16xi32> -> vector<16xf32>
      %le3A_794 = arith.cmpf ole, %masked_sort3A_493, %rev3A_788 : vector<16xf32>
      %select_n3A_795 = arith.select %le3A_794, %masked_sort3A_493, %rev3A_788 : vector<16xi1>, vector<16xf32>
      %select_n3A_796 = arith.select %le3A_794, %masked_sort3A_494, %rev3A_793 : vector<16xi1>, vector<16xf32>
      %masked_sort3A_797 = arith.constant dense<true> : vector<16xi1>
      %masked_sort3A_798, %masked_sort3A_799, %masked_sort3A_800 = tpu.sort %select_n3A_795, %select_n3A_796 masked %masked_sort3A_797 : (vector<16xf32>, vector<16xf32>, vector<16xi1>) -> (vector<16xi1>, vector<16xf32>, vector<16xf32>)
      %rev3A_801 = arith.constant 15 : i32
      %rev3A_802 = vector.broadcast %rev3A_801 : i32 to vector<16xi32>
      %rev3A_803 = tpu.iota {dimensions = array<i32: 0>} : vector<16xi32>
      %rev3A_804 = arith.subi %rev3A_802, %rev3A_803 : vector<16xi32>
      %rev3A_805 = tpu.dynamic_gather %masked_sort3A_544[%rev3A_804] in [0] : vector<16xf32>, vector<16xi32> -> vector<16xf32>
      %rev3A_806 = arith.constant 15 : i32
      %rev3A_807 = vector.broadcast %rev3A_806 : i32 to vector<16xi32>
      %rev3A_808 = tpu.iota {dimensions = array<i32: 0>} : vector<16xi32>
      %rev3A_809 = arith.subi %rev3A_807, %rev3A_808 : vector<16xi32>
      %rev3A_810 = tpu.dynamic_gather %masked_sort3A_545[%rev3A_809] in [0] : vector<16xf32>, vector<16xi32> -> vector<16xf32>
      %le3A_811 = arith.cmpf ole, %masked_sort3A_527, %rev3A_805 : vector<16xf32>
      %select_n3A_812 = arith.select %le3A_811, %masked_sort3A_527, %rev3A_805 : vector<16xi1>, vector<16xf32>
      %select_n3A_813 = arith.select %le3A_811, %masked_sort3A_528, %rev3A_810 : vector<16xi1>, vector<16xf32>
      %masked_sort3A_814 = arith.constant dense<true> : vector<16xi1>
      %masked_sort3A_815, %masked_sort3A_816, %masked_sort3A_817 = tpu.sort %select_n3A_812, %select_n3A_813 masked %masked_sort3A_814 : (vector<16xf32>, vector<16xf32>, vector<16xi1>) -> (vector<16xi1>, vector<16xf32>, vector<16xf32>)
      %rev3A_818 = arith.constant 15 : i32
      %rev3A_819 = vector.broadcast %rev3A_818 : i32 to vector<16xi32>
      %rev3A_820 = tpu.iota {dimensions = array<i32: 0>} : vector<16xi32>
      %rev3A_821 = arith.subi %rev3A_819, %rev3A_820 : vector<16xi32>
      %rev3A_822 = tpu.dynamic_gather %masked_sort3A_578[%rev3A_821] in [0] : vector<16xf32>, vector<16xi32> -> vector<16xf32>
      %rev3A_823 = arith.constant 15 : i32
      %rev3A_824 = vector.broadcast %rev3A_823 : i32 to vector<16xi32>
      %rev3A_825 = tpu.iota {dimensions = array<i32: 0>} : vector<16xi32>
      %rev3A_826 = arith.subi %rev3A_824, %rev3A_825 : vector<16xi32>
      %rev3A_827 = tpu.dynamic_gather %masked_sort3A_579[%rev3A_826] in [0] : vector<16xf32>, vector<16xi32> -> vector<16xf32>
      %le3A_828 = arith.cmpf ole, %masked_sort3A_561, %rev3A_822 : vector<16xf32>
      %select_n3A_829 = arith.select %le3A_828, %masked_sort3A_561, %rev3A_822 : vector<16xi1>, vector<16xf32>
      %select_n3A_830 = arith.select %le3A_828, %masked_sort3A_562, %rev3A_827 : vector<16xi1>, vector<16xf32>
      %masked_sort3A_831 = arith.constant dense<true> : vector<16xi1>
      %masked_sort3A_832, %masked_sort3A_833, %masked_sort3A_834 = tpu.sort %select_n3A_829, %select_n3A_830 masked %masked_sort3A_831 : (vector<16xf32>, vector<16xf32>, vector<16xi1>) -> (vector<16xi1>, vector<16xf32>, vector<16xf32>)
      %rev3A_835 = arith.constant 15 : i32
      %rev3A_836 = vector.broadcast %rev3A_835 : i32 to vector<16xi32>
      %rev3A_837 = tpu.iota {dimensions = array<i32: 0>} : vector<16xi32>
      %rev3A_838 = arith.subi %rev3A_836, %rev3A_837 : vector<16xi32>
      %rev3A_839 = tpu.dynamic_gather %masked_sort3A_612[%rev3A_838] in [0] : vector<16xf32>, vector<16xi32> -> vector<16xf32>
      %rev3A_840 = arith.constant 15 : i32
      %rev3A_841 = vector.broadcast %rev3A_840 : i32 to vector<16xi32>
      %rev3A_842 = tpu.iota {dimensions = array<i32: 0>} : vector<16xi32>
      %rev3A_843 = arith.subi %rev3A_841, %rev3A_842 : vector<16xi32>
      %rev3A_844 = tpu.dynamic_gather %masked_sort3A_613[%rev3A_843] in [0] : vector<16xf32>, vector<16xi32> -> vector<16xf32>
      %le3A_845 = arith.cmpf ole, %masked_sort3A_595, %rev3A_839 : vector<16xf32>
      %select_n3A_846 = arith.select %le3A_845, %masked_sort3A_595, %rev3A_839 : vector<16xi1>, vector<16xf32>
      %select_n3A_847 = arith.select %le3A_845, %masked_sort3A_596, %rev3A_844 : vector<16xi1>, vector<16xf32>
      %masked_sort3A_848 = arith.constant dense<true> : vector<16xi1>
      %masked_sort3A_849, %masked_sort3A_850, %masked_sort3A_851 = tpu.sort %select_n3A_846, %select_n3A_847 masked %masked_sort3A_848 : (vector<16xf32>, vector<16xf32>, vector<16xi1>) -> (vector<16xi1>, vector<16xf32>, vector<16xf32>)
      %rev3A_852 = arith.constant 15 : i32
      %rev3A_853 = vector.broadcast %rev3A_852 : i32 to vector<16xi32>
      %rev3A_854 = tpu.iota {dimensions = array<i32: 0>} : vector<16xi32>
      %rev3A_855 = arith.subi %rev3A_853, %rev3A_854 : vector<16xi32>
      %rev3A_856 = tpu.dynamic_gather %masked_sort3A_646[%rev3A_855] in [0] : vector<16xf32>, vector<16xi32> -> vector<16xf32>
      %rev3A_857 = arith.constant 15 : i32
      %rev3A_858 = vector.broadcast %rev3A_857 : i32 to vector<16xi32>
      %rev3A_859 = tpu.iota {dimensions = array<i32: 0>} : vector<16xi32>
      %rev3A_860 = arith.subi %rev3A_858, %rev3A_859 : vector<16xi32>
      %rev3A_861 = tpu.dynamic_gather %masked_sort3A_647[%rev3A_860] in [0] : vector<16xf32>, vector<16xi32> -> vector<16xf32>
      %le3A_862 = arith.cmpf ole, %masked_sort3A_629, %rev3A_856 : vector<16xf32>
      %select_n3A_863 = arith.select %le3A_862, %masked_sort3A_629, %rev3A_856 : vector<16xi1>, vector<16xf32>
      %select_n3A_864 = arith.select %le3A_862, %masked_sort3A_630, %rev3A_861 : vector<16xi1>, vector<16xf32>
      %masked_sort3A_865 = arith.constant dense<true> : vector<16xi1>
      %masked_sort3A_866, %masked_sort3A_867, %masked_sort3A_868 = tpu.sort %select_n3A_863, %select_n3A_864 masked %masked_sort3A_865 : (vector<16xf32>, vector<16xf32>, vector<16xi1>) -> (vector<16xi1>, vector<16xf32>, vector<16xf32>)
      %rev3A_869 = arith.constant 15 : i32
      %rev3A_870 = vector.broadcast %rev3A_869 : i32 to vector<16xi32>
      %rev3A_871 = tpu.iota {dimensions = array<i32: 0>} : vector<16xi32>
      %rev3A_872 = arith.subi %rev3A_870, %rev3A_871 : vector<16xi32>
      %rev3A_873 = tpu.dynamic_gather %masked_sort3A_680[%rev3A_872] in [0] : vector<16xf32>, vector<16xi32> -> vector<16xf32>
      %rev3A_874 = arith.constant 15 : i32
      %rev3A_875 = vector.broadcast %rev3A_874 : i32 to vector<16xi32>
      %rev3A_876 = tpu.iota {dimensions = array<i32: 0>} : vector<16xi32>
      %rev3A_877 = arith.subi %rev3A_875, %rev3A_876 : vector<16xi32>
      %rev3A_878 = tpu.dynamic_gather %masked_sort3A_681[%rev3A_877] in [0] : vector<16xf32>, vector<16xi32> -> vector<16xf32>
      %le3A_879 = arith.cmpf ole, %masked_sort3A_663, %rev3A_873 : vector<16xf32>
      %select_n3A_880 = arith.select %le3A_879, %masked_sort3A_663, %rev3A_873 : vector<16xi1>, vector<16xf32>
      %select_n3A_881 = arith.select %le3A_879, %masked_sort3A_664, %rev3A_878 : vector<16xi1>, vector<16xf32>
      %masked_sort3A_882 = arith.constant dense<true> : vector<16xi1>
      %masked_sort3A_883, %masked_sort3A_884, %masked_sort3A_885 = tpu.sort %select_n3A_880, %select_n3A_881 masked %masked_sort3A_882 : (vector<16xf32>, vector<16xf32>, vector<16xi1>) -> (vector<16xi1>, vector<16xf32>, vector<16xf32>)
      %rev3A_886 = arith.constant 15 : i32
      %rev3A_887 = vector.broadcast %rev3A_886 : i32 to vector<16xi32>
      %rev3A_888 = tpu.iota {dimensions = array<i32: 0>} : vector<16xi32>
      %rev3A_889 = arith.subi %rev3A_887, %rev3A_888 : vector<16xi32>
      %rev3A_890 = tpu.dynamic_gather %masked_sort3A_714[%rev3A_889] in [0] : vector<16xf32>, vector<16xi32> -> vector<16xf32>
      %rev3A_891 = arith.constant 15 : i32
      %rev3A_892 = vector.broadcast %rev3A_891 : i32 to vector<16xi32>
      %rev3A_893 = tpu.iota {dimensions = array<i32: 0>} : vector<16xi32>
      %rev3A_894 = arith.subi %rev3A_892, %rev3A_893 : vector<16xi32>
      %rev3A_895 = tpu.dynamic_gather %masked_sort3A_715[%rev3A_894] in [0] : vector<16xf32>, vector<16xi32> -> vector<16xf32>
      %le3A_896 = arith.cmpf ole, %masked_sort3A_697, %rev3A_890 : vector<16xf32>
      %select_n3A_897 = arith.select %le3A_896, %masked_sort3A_697, %rev3A_890 : vector<16xi1>, vector<16xf32>
      %select_n3A_898 = arith.select %le3A_896, %masked_sort3A_698, %rev3A_895 : vector<16xi1>, vector<16xf32>
      %masked_sort3A_899 = arith.constant dense<true> : vector<16xi1>
      %masked_sort3A_900, %masked_sort3A_901, %masked_sort3A_902 = tpu.sort %select_n3A_897, %select_n3A_898 masked %masked_sort3A_899 : (vector<16xf32>, vector<16xf32>, vector<16xi1>) -> (vector<16xi1>, vector<16xf32>, vector<16xf32>)
      %rev3A_903 = arith.constant 15 : i32
      %rev3A_904 = vector.broadcast %rev3A_903 : i32 to vector<16xi32>
      %rev3A_905 = tpu.iota {dimensions = array<i32: 0>} : vector<16xi32>
      %rev3A_906 = arith.subi %rev3A_904, %rev3A_905 : vector<16xi32>
      %rev3A_907 = tpu.dynamic_gather %masked_sort3A_748[%rev3A_906] in [0] : vector<16xf32>, vector<16xi32> -> vector<16xf32>
      %rev3A_908 = arith.constant 15 : i32
      %rev3A_909 = vector.broadcast %rev3A_908 : i32 to vector<16xi32>
      %rev3A_910 = tpu.iota {dimensions = array<i32: 0>} : vector<16xi32>
      %rev3A_911 = arith.subi %rev3A_909, %rev3A_910 : vector<16xi32>
      %rev3A_912 = tpu.dynamic_gather %masked_sort3A_749[%rev3A_911] in [0] : vector<16xf32>, vector<16xi32> -> vector<16xf32>
      %le3A_913 = arith.cmpf ole, %masked_sort3A_731, %rev3A_907 : vector<16xf32>
      %select_n3A_914 = arith.select %le3A_913, %masked_sort3A_731, %rev3A_907 : vector<16xi1>, vector<16xf32>
      %select_n3A_915 = arith.select %le3A_913, %masked_sort3A_732, %rev3A_912 : vector<16xi1>, vector<16xf32>
      %masked_sort3A_916 = arith.constant dense<true> : vector<16xi1>
      %masked_sort3A_917, %masked_sort3A_918, %masked_sort3A_919 = tpu.sort %select_n3A_914, %select_n3A_915 masked %masked_sort3A_916 : (vector<16xf32>, vector<16xf32>, vector<16xi1>) -> (vector<16xi1>, vector<16xf32>, vector<16xf32>)
      %rev3A_920 = arith.constant 15 : i32
      %rev3A_921 = vector.broadcast %rev3A_920 : i32 to vector<16xi32>
      %rev3A_922 = tpu.iota {dimensions = array<i32: 0>} : vector<16xi32>
      %rev3A_923 = arith.subi %rev3A_921, %rev3A_922 : vector<16xi32>
      %rev3A_924 = tpu.dynamic_gather %masked_sort3A_782[%rev3A_923] in [0] : vector<16xf32>, vector<16xi32> -> vector<16xf32>
      %rev3A_925 = arith.constant 15 : i32
      %rev3A_926 = vector.broadcast %rev3A_925 : i32 to vector<16xi32>
      %rev3A_927 = tpu.iota {dimensions = array<i32: 0>} : vector<16xi32>
      %rev3A_928 = arith.subi %rev3A_926, %rev3A_927 : vector<16xi32>
      %rev3A_929 = tpu.dynamic_gather %masked_sort3A_783[%rev3A_928] in [0] : vector<16xf32>, vector<16xi32> -> vector<16xf32>
      %le3A_930 = arith.cmpf ole, %masked_sort3A_765, %rev3A_924 : vector<16xf32>
      %select_n3A_931 = arith.select %le3A_930, %masked_sort3A_765, %rev3A_924 : vector<16xi1>, vector<16xf32>
      %select_n3A_932 = arith.select %le3A_930, %masked_sort3A_766, %rev3A_929 : vector<16xi1>, vector<16xf32>
      %masked_sort3A_933 = arith.constant dense<true> : vector<16xi1>
      %masked_sort3A_934, %masked_sort3A_935, %masked_sort3A_936 = tpu.sort %select_n3A_931, %select_n3A_932 masked %masked_sort3A_933 : (vector<16xf32>, vector<16xf32>, vector<16xi1>) -> (vector<16xi1>, vector<16xf32>, vector<16xf32>)
      %rev3A_937 = arith.constant 15 : i32
      %rev3A_938 = vector.broadcast %rev3A_937 : i32 to vector<16xi32>
      %rev3A_939 = tpu.iota {dimensions = array<i32: 0>} : vector<16xi32>
      %rev3A_940 = arith.subi %rev3A_938, %rev3A_939 : vector<16xi32>
      %rev3A_941 = tpu.dynamic_gather %masked_sort3A_816[%rev3A_940] in [0] : vector<16xf32>, vector<16xi32> -> vector<16xf32>
      %rev3A_942 = arith.constant 15 : i32
      %rev3A_943 = vector.broadcast %rev3A_942 : i32 to vector<16xi32>
      %rev3A_944 = tpu.iota {dimensions = array<i32: 0>} : vector<16xi32>
      %rev3A_945 = arith.subi %rev3A_943, %rev3A_944 : vector<16xi32>
      %rev3A_946 = tpu.dynamic_gather %masked_sort3A_817[%rev3A_945] in [0] : vector<16xf32>, vector<16xi32> -> vector<16xf32>
      %le3A_947 = arith.cmpf ole, %masked_sort3A_799, %rev3A_941 : vector<16xf32>
      %select_n3A_948 = arith.select %le3A_947, %masked_sort3A_799, %rev3A_941 : vector<16xi1>, vector<16xf32>
      %select_n3A_949 = arith.select %le3A_947, %masked_sort3A_800, %rev3A_946 : vector<16xi1>, vector<16xf32>
      %masked_sort3A_950 = arith.constant dense<true> : vector<16xi1>
      %masked_sort3A_951, %masked_sort3A_952, %masked_sort3A_953 = tpu.sort %select_n3A_948, %select_n3A_949 masked %masked_sort3A_950 : (vector<16xf32>, vector<16xf32>, vector<16xi1>) -> (vector<16xi1>, vector<16xf32>, vector<16xf32>)
      %rev3A_954 = arith.constant 15 : i32
      %rev3A_955 = vector.broadcast %rev3A_954 : i32 to vector<16xi32>
      %rev3A_956 = tpu.iota {dimensions = array<i32: 0>} : vector<16xi32>
      %rev3A_957 = arith.subi %rev3A_955, %rev3A_956 : vector<16xi32>
      %rev3A_958 = tpu.dynamic_gather %masked_sort3A_850[%rev3A_957] in [0] : vector<16xf32>, vector<16xi32> -> vector<16xf32>
      %rev3A_959 = arith.constant 15 : i32
      %rev3A_960 = vector.broadcast %rev3A_959 : i32 to vector<16xi32>
      %rev3A_961 = tpu.iota {dimensions = array<i32: 0>} : vector<16xi32>
      %rev3A_962 = arith.subi %rev3A_960, %rev3A_961 : vector<16xi32>
      %rev3A_963 = tpu.dynamic_gather %masked_sort3A_851[%rev3A_962] in [0] : vector<16xf32>, vector<16xi32> -> vector<16xf32>
      %le3A_964 = arith.cmpf ole, %masked_sort3A_833, %rev3A_958 : vector<16xf32>
      %select_n3A_965 = arith.select %le3A_964, %masked_sort3A_833, %rev3A_958 : vector<16xi1>, vector<16xf32>
      %select_n3A_966 = arith.select %le3A_964, %masked_sort3A_834, %rev3A_963 : vector<16xi1>, vector<16xf32>
      %masked_sort3A_967 = arith.constant dense<true> : vector<16xi1>
      %masked_sort3A_968, %masked_sort3A_969, %masked_sort3A_970 = tpu.sort %select_n3A_965, %select_n3A_966 masked %masked_sort3A_967 : (vector<16xf32>, vector<16xf32>, vector<16xi1>) -> (vector<16xi1>, vector<16xf32>, vector<16xf32>)
      %rev3A_971 = arith.constant 15 : i32
      %rev3A_972 = vector.broadcast %rev3A_971 : i32 to vector<16xi32>
      %rev3A_973 = tpu.iota {dimensions = array<i32: 0>} : vector<16xi32>
      %rev3A_974 = arith.subi %rev3A_972, %rev3A_973 : vector<16xi32>
      %rev3A_975 = tpu.dynamic_gather %masked_sort3A_884[%rev3A_974] in [0] : vector<16xf32>, vector<16xi32> -> vector<16xf32>
      %rev3A_976 = arith.constant 15 : i32
      %rev3A_977 = vector.broadcast %rev3A_976 : i32 to vector<16xi32>
      %rev3A_978 = tpu.iota {dimensions = array<i32: 0>} : vector<16xi32>
      %rev3A_979 = arith.subi %rev3A_977, %rev3A_978 : vector<16xi32>
      %rev3A_980 = tpu.dynamic_gather %masked_sort3A_885[%rev3A_979] in [0] : vector<16xf32>, vector<16xi32> -> vector<16xf32>
      %le3A_981 = arith.cmpf ole, %masked_sort3A_867, %rev3A_975 : vector<16xf32>
      %select_n3A_982 = arith.select %le3A_981, %masked_sort3A_867, %rev3A_975 : vector<16xi1>, vector<16xf32>
      %select_n3A_983 = arith.select %le3A_981, %masked_sort3A_868, %rev3A_980 : vector<16xi1>, vector<16xf32>
      %masked_sort3A_984 = arith.constant dense<true> : vector<16xi1>
      %masked_sort3A_985, %masked_sort3A_986, %masked_sort3A_987 = tpu.sort %select_n3A_982, %select_n3A_983 masked %masked_sort3A_984 : (vector<16xf32>, vector<16xf32>, vector<16xi1>) -> (vector<16xi1>, vector<16xf32>, vector<16xf32>)
      %rev3A_988 = arith.constant 15 : i32
      %rev3A_989 = vector.broadcast %rev3A_988 : i32 to vector<16xi32>
      %rev3A_990 = tpu.iota {dimensions = array<i32: 0>} : vector<16xi32>
      %rev3A_991 = arith.subi %rev3A_989, %rev3A_990 : vector<16xi32>
      %rev3A_992 = tpu.dynamic_gather %masked_sort3A_918[%rev3A_991] in [0] : vector<16xf32>, vector<16xi32> -> vector<16xf32>
      %rev3A_993 = arith.constant 15 : i32
      %rev3A_994 = vector.broadcast %rev3A_993 : i32 to vector<16xi32>
      %rev3A_995 = tpu.iota {dimensions = array<i32: 0>} : vector<16xi32>
      %rev3A_996 = arith.subi %rev3A_994, %rev3A_995 : vector<16xi32>
      %rev3A_997 = tpu.dynamic_gather %masked_sort3A_919[%rev3A_996] in [0] : vector<16xf32>, vector<16xi32> -> vector<16xf32>
      %le3A_998 = arith.cmpf ole, %masked_sort3A_901, %rev3A_992 : vector<16xf32>
      %select_n3A_999 = arith.select %le3A_998, %masked_sort3A_901, %rev3A_992 : vector<16xi1>, vector<16xf32>
      %select_n3A_1000 = arith.select %le3A_998, %masked_sort3A_902, %rev3A_997 : vector<16xi1>, vector<16xf32>
      %masked_sort3A_1001 = arith.constant dense<true> : vector<16xi1>
      %masked_sort3A_1002, %masked_sort3A_1003, %masked_sort3A_1004 = tpu.sort %select_n3A_999, %select_n3A_1000 masked %masked_sort3A_1001 : (vector<16xf32>, vector<16xf32>, vector<16xi1>) -> (vector<16xi1>, vector<16xf32>, vector<16xf32>)
      %rev3A_1005 = arith.constant 15 : i32
      %rev3A_1006 = vector.broadcast %rev3A_1005 : i32 to vector<16xi32>
      %rev3A_1007 = tpu.iota {dimensions = array<i32: 0>} : vector<16xi32>
      %rev3A_1008 = arith.subi %rev3A_1006, %rev3A_1007 : vector<16xi32>
      %rev3A_1009 = tpu.dynamic_gather %masked_sort3A_969[%rev3A_1008] in [0] : vector<16xf32>, vector<16xi32> -> vector<16xf32>
      %rev3A_1010 = arith.constant 15 : i32
      %rev3A_1011 = vector.broadcast %rev3A_1010 : i32 to vector<16xi32>
      %rev3A_1012 = tpu.iota {dimensions = array<i32: 0>} : vector<16xi32>
      %rev3A_1013 = arith.subi %rev3A_1011, %rev3A_1012 : vector<16xi32>
      %rev3A_1014 = tpu.dynamic_gather %masked_sort3A_970[%rev3A_1013] in [0] : vector<16xf32>, vector<16xi32> -> vector<16xf32>
      %le3A_1015 = arith.cmpf ole, %masked_sort3A_952, %rev3A_1009 : vector<16xf32>
      %select_n3A_1016 = arith.select %le3A_1015, %masked_sort3A_952, %rev3A_1009 : vector<16xi1>, vector<16xf32>
      %select_n3A_1017 = arith.select %le3A_1015, %masked_sort3A_953, %rev3A_1014 : vector<16xi1>, vector<16xf32>
      %masked_sort3A_1018 = arith.constant dense<true> : vector<16xi1>
      %masked_sort3A_1019, %masked_sort3A_1020, %masked_sort3A_1021 = tpu.sort %select_n3A_1016, %select_n3A_1017 masked %masked_sort3A_1018 : (vector<16xf32>, vector<16xf32>, vector<16xi1>) -> (vector<16xi1>, vector<16xf32>, vector<16xf32>)
      %rev3A_1022 = arith.constant 15 : i32
      %rev3A_1023 = vector.broadcast %rev3A_1022 : i32 to vector<16xi32>
      %rev3A_1024 = tpu.iota {dimensions = array<i32: 0>} : vector<16xi32>
      %rev3A_1025 = arith.subi %rev3A_1023, %rev3A_1024 : vector<16xi32>
      %rev3A_1026 = tpu.dynamic_gather %masked_sort3A_1003[%rev3A_1025] in [0] : vector<16xf32>, vector<16xi32> -> vector<16xf32>
      %rev3A_1027 = arith.constant 15 : i32
      %rev3A_1028 = vector.broadcast %rev3A_1027 : i32 to vector<16xi32>
      %rev3A_1029 = tpu.iota {dimensions = array<i32: 0>} : vector<16xi32>
      %rev3A_1030 = arith.subi %rev3A_1028, %rev3A_1029 : vector<16xi32>
      %rev3A_1031 = tpu.dynamic_gather %masked_sort3A_1004[%rev3A_1030] in [0] : vector<16xf32>, vector<16xi32> -> vector<16xf32>
      %le3A_1032 = arith.cmpf ole, %masked_sort3A_986, %rev3A_1026 : vector<16xf32>
      %select_n3A_1033 = arith.select %le3A_1032, %masked_sort3A_986, %rev3A_1026 : vector<16xi1>, vector<16xf32>
      %select_n3A_1034 = arith.select %le3A_1032, %masked_sort3A_987, %rev3A_1031 : vector<16xi1>, vector<16xf32>
      %masked_sort3A_1035 = arith.constant dense<true> : vector<16xi1>
      %masked_sort3A_1036, %masked_sort3A_1037, %masked_sort3A_1038 = tpu.sort %select_n3A_1033, %select_n3A_1034 masked %masked_sort3A_1035 : (vector<16xf32>, vector<16xf32>, vector<16xi1>) -> (vector<16xi1>, vector<16xf32>, vector<16xf32>)
      %rev3A_1039 = arith.constant 15 : i32
      %rev3A_1040 = vector.broadcast %rev3A_1039 : i32 to vector<16xi32>
      %rev3A_1041 = tpu.iota {dimensions = array<i32: 0>} : vector<16xi32>
      %rev3A_1042 = arith.subi %rev3A_1040, %rev3A_1041 : vector<16xi32>
      %rev3A_1043 = tpu.dynamic_gather %masked_sort3A_1037[%rev3A_1042] in [0] : vector<16xf32>, vector<16xi32> -> vector<16xf32>
      %rev3A_1044 = arith.constant 15 : i32
      %rev3A_1045 = vector.broadcast %rev3A_1044 : i32 to vector<16xi32>
      %rev3A_1046 = tpu.iota {dimensions = array<i32: 0>} : vector<16xi32>
      %rev3A_1047 = arith.subi %rev3A_1045, %rev3A_1046 : vector<16xi32>
      %rev3A_1048 = tpu.dynamic_gather %masked_sort3A_1038[%rev3A_1047] in [0] : vector<16xf32>, vector<16xi32> -> vector<16xf32>
      %le3A_1049 = arith.cmpf ole, %masked_sort3A_1020, %rev3A_1043 : vector<16xf32>
      %select_n3A_1050 = arith.select %le3A_1049, %masked_sort3A_1020, %rev3A_1043 : vector<16xi1>, vector<16xf32>
      %select_n3A_1051 = arith.select %le3A_1049, %masked_sort3A_1021, %rev3A_1048 : vector<16xi1>, vector<16xf32>
      %masked_sort3A_1052 = arith.constant dense<true> : vector<16xi1>
      %masked_sort3A_1053, %masked_sort3A_1054, %masked_sort3A_1055 = tpu.sort %select_n3A_1050, %select_n3A_1051 masked %masked_sort3A_1052 : (vector<16xf32>, vector<16xf32>, vector<16xi1>) -> (vector<16xi1>, vector<16xf32>, vector<16xf32>)
      %rev3A_1056 = arith.constant 15 : i32
      %rev3A_1057 = vector.broadcast %rev3A_1056 : i32 to vector<16xi32>
      %rev3A_1058 = tpu.iota {dimensions = array<i32: 0>} : vector<16xi32>
      %rev3A_1059 = arith.subi %rev3A_1057, %rev3A_1058 : vector<16xi32>
      %rev3A_1060 = tpu.dynamic_gather %masked_sort3A_935[%rev3A_1059] in [0] : vector<16xf32>, vector<16xi32> -> vector<16xf32>
      %rev3A_1061 = arith.constant 15 : i32
      %rev3A_1062 = vector.broadcast %rev3A_1061 : i32 to vector<16xi32>
      %rev3A_1063 = tpu.iota {dimensions = array<i32: 0>} : vector<16xi32>
      %rev3A_1064 = arith.subi %rev3A_1062, %rev3A_1063 : vector<16xi32>
      %rev3A_1065 = tpu.dynamic_gather %masked_sort3A_936[%rev3A_1064] in [0] : vector<16xf32>, vector<16xi32> -> vector<16xf32>
      %le3A_1066 = arith.cmpf ole, %masked_sort3A_1054, %rev3A_1060 : vector<16xf32>
      %select_n3A_1067 = arith.select %le3A_1066, %masked_sort3A_1054, %rev3A_1060 : vector<16xi1>, vector<16xf32>
      %select_n3A_1068 = arith.select %le3A_1066, %masked_sort3A_1055, %rev3A_1065 : vector<16xi1>, vector<16xf32>
      %masked_sort3A_1069 = arith.constant dense<true> : vector<16xi1>
      %masked_sort3A_1070, %masked_sort3A_1071, %masked_sort3A_1072 = tpu.sort %select_n3A_1067, %select_n3A_1068 masked %masked_sort3A_1069 : (vector<16xf32>, vector<16xf32>, vector<16xi1>) -> (vector<16xi1>, vector<16xf32>, vector<16xf32>)
      %mul3A_1073 = arith.constant 16 : i32
      %mul3A_1074 = arith.muli %scan3A_14, %mul3A_1073 : i32
      %swap3A = arith.index_cast %mul3A_1074 : i32 to index
      %swap3A_1075 = tpu.vector_load %arg6[%swap3A] {strides = array<i32>} : memref<2304xf32, #tpu.memory_space<vmem>>, vector<16xf32>,
      tpu.vector_store %arg6[%swap3A], %masked_sort3A_1071 {strides = array<i32>} : memref<2304xf32, #tpu.memory_space<vmem>>, vector<16xf32>,
      %mul3A_1076 = arith.constant 16 : i32
      %mul3A_1077 = arith.muli %scan3A_14, %mul3A_1076 : i32
      %swap3A_1078 = arith.index_cast %mul3A_1077 : i32 to index
      %swap3A_1079 = tpu.vector_load %arg7[%swap3A_1078] {strides = array<i32>} : memref<2304xf32, #tpu.memory_space<vmem>>, vector<16xf32>,
      tpu.vector_store %arg7[%swap3A_1078], %masked_sort3A_1072 {strides = array<i32>} : memref<2304xf32, #tpu.memory_space<vmem>>, vector<16xf32>,
    }
    %scan3A_9 = arith.constant 144 : i32
    %mul3A_10 = arith.constant 16 : i32
    %mul3A_11 = arith.muli %mul3A_2, %mul3A_10 : i32
    "tpu.region"() ({
      %run_scoped3A = tpu.sem_alloc : memref<!tpu.dma_semaphore, #tpu.memory_space<semaphore_mem>>
      %dma_start3A = tpu.memref_slice %arg3[%mul3A_11] : memref<73728xf32, #tpu.memory_space<hbm>> -> memref<2304xf32, #tpu.memory_space<hbm>>
      %dma_start3A_14 = tpu.memref_slice %arg3[%mul3A_11] : memref<73728xf32, #tpu.memory_space<hbm>> -> memref<2304xf32, #tpu.memory_space<hbm>>
      tpu.enqueue_dma source(%arg6 : memref<2304xf32, #tpu.memory_space<vmem>>) target(%dma_start3A_14 : memref<2304xf32, #tpu.memory_space<hbm>>) target_semaphore(%run_scoped3A : memref<!tpu.dma_semaphore, #tpu.memory_space<semaphore_mem>>)
      %dma_wait3A = tpu.memref_slice %arg3[%mul3A_11] : memref<73728xf32, #tpu.memory_space<hbm>> -> memref<2304xf32, #tpu.memory_space<hbm>>
      %dma_wait3A_15 = tpu.memref_slice %arg3[%mul3A_11] : memref<73728xf32, #tpu.memory_space<hbm>> -> memref<2304xf32, #tpu.memory_space<hbm>>
      tpu.wait_dma2 semaphore(%run_scoped3A : memref<!tpu.dma_semaphore, #tpu.memory_space<semaphore_mem>>) src(%arg6 : memref<2304xf32, #tpu.memory_space<vmem>>) dst(%dma_wait3A_15 : memref<2304xf32, #tpu.memory_space<hbm>>)
      tpu.yield
    }) : () -> ()
    %mul3A_12 = arith.constant 16 : i32
    %mul3A_13 = arith.muli %mul3A_2, %mul3A_12 : i32
    "tpu.region"() ({
      %run_scoped3A = tpu.sem_alloc : memref<!tpu.dma_semaphore, #tpu.memory_space<semaphore_mem>>
      %dma_start3A = tpu.memref_slice %arg4[%mul3A_13] : memref<73728xf32, #tpu.memory_space<hbm>> -> memref<2304xf32, #tpu.memory_space<hbm>>
      %dma_start3A_14 = tpu.memref_slice %arg4[%mul3A_13] : memref<73728xf32, #tpu.memory_space<hbm>> -> memref<2304xf32, #tpu.memory_space<hbm>>
      tpu.enqueue_dma source(%arg7 : memref<2304xf32, #tpu.memory_space<vmem>>) target(%dma_start3A_14 : memref<2304xf32, #tpu.memory_space<hbm>>) target_semaphore(%run_scoped3A : memref<!tpu.dma_semaphore, #tpu.memory_space<semaphore_mem>>)
      %dma_wait3A = tpu.memref_slice %arg4[%mul3A_13] : memref<73728xf32, #tpu.memory_space<hbm>> -> memref<2304xf32, #tpu.memory_space<hbm>>
      %dma_wait3A_15 = tpu.memref_slice %arg4[%mul3A_13] : memref<73728xf32, #tpu.memory_space<hbm>> -> memref<2304xf32, #tpu.memory_space<hbm>>
      tpu.wait_dma2 semaphore(%run_scoped3A : memref<!tpu.dma_semaphore, #tpu.memory_space<semaphore_mem>>) src(%arg7 : memref<2304xf32, #tpu.memory_space<vmem>>) dst(%dma_wait3A_15 : memref<2304xf32, #tpu.memory_space<hbm>>)
      tpu.yield
    }) : () -> ()
    return
  }
}

module attributes {stable_mosaic.version = 14 : i64} {
  func.func @_enc_body(%arg0: i32, %arg1: memref<1x576x192xf32, #tpu.memory_space<vmem>>, %arg2: memref<192x256xf32, #tpu.memory_space<vmem>>, %arg3: memref<1x256xf32, #tpu.memory_space<vmem>>, %arg4: memref<1x576x256xf32, #tpu.memory_space<vmem>>, %arg5: memref<1x576x576xf32, #tpu.memory_space<vmem>>) attributes {dimension_semantics = [#tpu.dimension_semantics<arbitrary>], iteration_bounds = array<i64: 8>, scalar_prefetch = 0 : i64, scratch_operands = 0 : i64, tpu.core_type = #tpu.core_type<tc>, window_params = [{transform_indices = @transform_0, window_bounds = array<i64: 1, 576, 192>}, {pipeline_mode = #tpu.pipeline_mode<synchronous>, transform_indices = @transform_1, window_bounds = array<i64: 192, 256>}, {pipeline_mode = #tpu.pipeline_mode<synchronous>, transform_indices = @transform_2, window_bounds = array<i64: 1, 256>}, {transform_indices = @transform_3, window_bounds = array<i64: 1, 576, 256>}, {transform_indices = @transform_4, window_bounds = array<i64: 1, 576, 576>}]} {
    %get3A = arith.constant 0 : index
    %get3A_0 = arith.constant 0 : index
    %get3A_1 = arith.constant 0 : index
    %get3A_2 = vector.load %arg1[%get3A, %get3A_0, %get3A_1] : memref<1x576x192xf32, #tpu.memory_space<vmem>>, vector<1x576x192xf32>
    %get3A_3 = vector.shape_cast %get3A_2 : vector<1x576x192xf32> to vector<576x192xf32>
    %get3A_4 = arith.constant 0 : index
    %get3A_5 = arith.constant 0 : index
    %get3A_6 = vector.load %arg2[%get3A_4, %get3A_5] : memref<192x256xf32, #tpu.memory_space<vmem>>, vector<192x256xf32>
    %dot_general3A = arith.constant dense<0.000000e+00> : vector<576x256xf32>
    %dot_general3A_7 = tpu.matmul %get3A_3, %get3A_6, %dot_general3A {dimension_numbers = #tpu.dot_dimension_numbers<[1], [0], [0], [1], [0, 0, 1, 1], [], []>, transpose_lhs_hint = false} : vector<576x192xf32>, vector<192x256xf32>, vector<576x256xf32> -> vector<576x256xf32>
    %get3A_8 = arith.constant 0 : index
    %get3A_9 = arith.constant 0 : index
    %get3A_10 = vector.load %arg3[%get3A_8, %get3A_9] : memref<1x256xf32, #tpu.memory_space<vmem>>, vector<1x256xf32>
    %add3A = vector.broadcast %get3A_10 : vector<1x256xf32> to vector<576x256xf32>
    %add3A_11 = arith.addf %dot_general3A_7, %add3A : vector<576x256xf32>
    %swap3A = arith.constant 0 : index
    %swap3A_12 = arith.constant 0 : index
    %swap3A_13 = arith.constant 0 : index
    %swap3A_14 = vector.load %arg4[%swap3A, %swap3A_12, %swap3A_13] : memref<1x576x256xf32, #tpu.memory_space<vmem>>, vector<1x576x256xf32>
    %swap3A_15 = vector.shape_cast %swap3A_14 : vector<1x576x256xf32> to vector<576x256xf32>
    %swap3A_16 = vector.shape_cast %add3A_11 : vector<576x256xf32> to vector<1x576x256xf32>
    tpu.vector_store %arg4[%swap3A, %swap3A_12, %swap3A_13], %swap3A_16 {strides = array<i32>} : memref<1x576x256xf32, #tpu.memory_space<vmem>>, vector<1x576x256xf32>,
    %mul3A = arith.mulf %add3A_11, %add3A_11 : vector<576x256xf32>
    %reduce_sum3A = arith.constant dense<0.000000e+00> : vector<576xf32>
    %reduce_sum3A_17 = vector.multi_reduction <add>, %mul3A, %reduce_sum3A [1] : vector<576x256xf32> to vector<576xf32>
    %broadcast_in_dim3A = vector.shape_cast %reduce_sum3A_17 : vector<576xf32> to vector<576x1xf32>
    %dot_general3A_18 = arith.constant dense<0.000000e+00> : vector<576x576xf32>
    %dot_general3A_19 = tpu.matmul %add3A_11, %add3A_11, %dot_general3A_18 {dimension_numbers = #tpu.dot_dimension_numbers<[1], [1], [0], [0], [0, 0, 1, 0], [], []>, transpose_lhs_hint = false} : vector<576x256xf32>, vector<576x256xf32>, vector<576x576xf32> -> vector<576x576xf32>
    %reshape3A = vector.shape_cast %broadcast_in_dim3A : vector<576x1xf32> to vector<1x576xf32>
    %add3A_20 = vector.broadcast %broadcast_in_dim3A : vector<576x1xf32> to vector<576x576xf32>
    %add3A_21 = vector.broadcast %reshape3A : vector<1x576xf32> to vector<576x576xf32>
    %add3A_22 = arith.addf %add3A_20, %add3A_21 : vector<576x576xf32>
    %mul3A_23 = arith.constant 2.000000e+00 : f32
    %mul3A_24 = vector.broadcast %mul3A_23 : f32 to vector<576x576xf32>
    %mul3A_25 = arith.mulf %mul3A_24, %dot_general3A_19 : vector<576x576xf32>
    %sub3A = arith.subf %add3A_22, %mul3A_25 : vector<576x576xf32>
    %iota3A = tpu.iota {dimensions = array<i32: 0>} : vector<576x576xi32>
    %iota3A_26 = tpu.iota {dimensions = array<i32: 1>} : vector<576x576xi32>
    %eq3A = arith.cmpi eq, %iota3A, %iota3A_26 : vector<576x576xi32>
    %add3A_27 = arith.constant 1.000000e+09 : f32
    %add3A_28 = vector.broadcast %add3A_27 : f32 to vector<576x576xf32>
    %add3A_29 = arith.addf %sub3A, %add3A_28 : vector<576x576xf32>
    %select_n3A = arith.select %eq3A, %add3A_29, %sub3A : vector<576x576xi1>, vector<576x576xf32>
    %swap3A_30 = arith.constant 0 : index
    %swap3A_31 = arith.constant 0 : index
    %swap3A_32 = arith.constant 0 : index
    %swap3A_33 = vector.load %arg5[%swap3A_30, %swap3A_31, %swap3A_32] : memref<1x576x576xf32, #tpu.memory_space<vmem>>, vector<1x576x576xf32>
    %swap3A_34 = vector.shape_cast %swap3A_33 : vector<1x576x576xf32> to vector<576x576xf32>
    %swap3A_35 = vector.shape_cast %select_n3A : vector<576x576xf32> to vector<1x576x576xf32>
    tpu.vector_store %arg5[%swap3A_30, %swap3A_31, %swap3A_32], %swap3A_35 {strides = array<i32>} : memref<1x576x576xf32, #tpu.memory_space<vmem>>, vector<1x576x576xf32>,
    return
  }
  func.func @transform_0(%arg0: i32) -> (i32, i32, i32) {
    %c0_i32 = arith.constant 0 : i32
    %c0_i32_0 = arith.constant 0 : i32
    %c0_i32_1 = arith.constant 0 : i32
    return %arg0, %c0_i32, %c0_i32_0 : i32, i32, i32
  }
  func.func @transform_1(%arg0: i32) -> (i32, i32) {
    %c0_i32 = arith.constant 0 : i32
    %c0_i32_0 = arith.constant 0 : i32
    %c0_i32_1 = arith.constant 0 : i32
    return %c0_i32, %c0_i32_0 : i32, i32
  }
  func.func @transform_2(%arg0: i32) -> (i32, i32) {
    %c0_i32 = arith.constant 0 : i32
    %c0_i32_0 = arith.constant 0 : i32
    %c0_i32_1 = arith.constant 0 : i32
    return %c0_i32, %c0_i32_0 : i32, i32
  }
  func.func @transform_3(%arg0: i32) -> (i32, i32, i32) {
    %c0_i32 = arith.constant 0 : i32
    %c0_i32_0 = arith.constant 0 : i32
    %c0_i32_1 = arith.constant 0 : i32
    return %arg0, %c0_i32, %c0_i32_0 : i32, i32, i32
  }
  func.func @transform_4(%arg0: i32) -> (i32, i32, i32) {
    %c0_i32 = arith.constant 0 : i32
    %c0_i32_0 = arith.constant 0 : i32
    %c0_i32_1 = arith.constant 0 : i32
    return %arg0, %c0_i32, %c0_i32_0 : i32, i32, i32
  }
}

module attributes {stable_mosaic.version = 14 : i64} {
  func.func @_gcn_body(%arg0: i32, %arg1: memref<1x576x256xf32, #tpu.memory_space<vmem>>, %arg2: memref<1x576x576xf32, #tpu.memory_space<vmem>>, %arg3: memref<1x576x1xf32, #tpu.memory_space<vmem>>, %arg4: memref<1x576x1xf32, #tpu.memory_space<vmem>>, %arg5: memref<256x256xf32, #tpu.memory_space<vmem>>, %arg6: memref<1x256xf32, #tpu.memory_space<vmem>>, %arg7: memref<576x256xf32, #tpu.memory_space<vmem>>, %arg8: memref<1x1xf32, #tpu.memory_space<vmem>>, %arg9: memref<1x576x256xf32, #tpu.memory_space<vmem>>, %arg10: memref<8x1xf32, #tpu.memory_space<vmem>>) attributes {dimension_semantics = [#tpu.dimension_semantics<arbitrary>], iteration_bounds = array<i64: 8>, scalar_prefetch = 0 : i64, scratch_operands = 0 : i64, tpu.core_type = #tpu.core_type<tc>, window_params = [{transform_indices = @transform_0, window_bounds = array<i64: 1, 576, 256>}, {transform_indices = @transform_1, window_bounds = array<i64: 1, 576, 576>}, {transform_indices = @transform_2, window_bounds = array<i64: 1, 576, 1>}, {transform_indices = @transform_3, window_bounds = array<i64: 1, 576, 1>}, {pipeline_mode = #tpu.pipeline_mode<synchronous>, transform_indices = @transform_4, window_bounds = array<i64: 256, 256>}, {pipeline_mode = #tpu.pipeline_mode<synchronous>, transform_indices = @transform_5, window_bounds = array<i64: 1, 256>}, {pipeline_mode = #tpu.pipeline_mode<synchronous>, transform_indices = @transform_6, window_bounds = array<i64: 576, 256>}, {pipeline_mode = #tpu.pipeline_mode<synchronous>, transform_indices = @transform_7, window_bounds = array<i64: 1, 1>}, {transform_indices = @transform_8, window_bounds = array<i64: 1, 576, 256>}, {pipeline_mode = #tpu.pipeline_mode<synchronous>, transform_indices = @transform_9, window_bounds = array<i64: 8, 1>}]} {
    %get3A = arith.constant 0 : index
    %get3A_0 = arith.constant 0 : index
    %get3A_1 = arith.constant 0 : index
    %get3A_2 = vector.load %arg1[%get3A, %get3A_0, %get3A_1] : memref<1x576x256xf32, #tpu.memory_space<vmem>>, vector<1x576x256xf32>
    %get3A_3 = vector.shape_cast %get3A_2 : vector<1x576x256xf32> to vector<576x256xf32>
    %get3A_4 = arith.constant 0 : index
    %get3A_5 = arith.constant 0 : index
    %get3A_6 = arith.constant 0 : index
    %get3A_7 = vector.load %arg2[%get3A_4, %get3A_5, %get3A_6] : memref<1x576x576xf32, #tpu.memory_space<vmem>>, vector<1x576x576xf32>
    %get3A_8 = vector.shape_cast %get3A_7 : vector<1x576x576xf32> to vector<576x576xf32>
    %get3A_9 = arith.constant 0 : index
    %get3A_10 = arith.constant 0 : index
    %get3A_11 = arith.constant 0 : index
    %get3A_12 = vector.load %arg3[%get3A_9, %get3A_10, %get3A_11] : memref<1x576x1xf32, #tpu.memory_space<vmem>>, vector<1x576x1xf32>
    %get3A_13 = vector.shape_cast %get3A_12 : vector<1x576x1xf32> to vector<576x1xf32>
    %get3A_14 = arith.constant 0 : index
    %get3A_15 = arith.constant 0 : index
    %get3A_16 = arith.constant 0 : index
    %get3A_17 = vector.load %arg4[%get3A_14, %get3A_15, %get3A_16] : memref<1x576x1xf32, #tpu.memory_space<vmem>>, vector<1x576x1xf32>
    %get3A_18 = vector.shape_cast %get3A_17 : vector<1x576x1xf32> to vector<576x1xf32>
    %iota3A = tpu.iota {dimensions = array<i32: 1>} : vector<576x576xi32>
    %convert_element_type3A = arith.sitofp %iota3A : vector<576x576xi32> to vector<576x576xf32>
    %lt3A = vector.broadcast %get3A_13 : vector<576x1xf32> to vector<576x576xf32>
    %lt3A_19 = arith.cmpf olt, %get3A_8, %lt3A : vector<576x576xf32>
    %eq3A = vector.broadcast %get3A_13 : vector<576x1xf32> to vector<576x576xf32>
    %eq3A_20 = arith.cmpf oeq, %get3A_8, %eq3A : vector<576x576xf32>
    %le3A = vector.broadcast %get3A_18 : vector<576x1xf32> to vector<576x576xf32>
    %le3A_21 = arith.cmpf ole, %convert_element_type3A, %le3A : vector<576x576xf32>
    %and3A = arith.andi %eq3A_20, %le3A_21 : vector<576x576xi1>
    %or3A = arith.ori %lt3A_19, %and3A : vector<576x576xi1>
    %jit3A = arith.constant 1.000000e+00 : f32
    %jit3A_22 = arith.constant 0.000000e+00 : f32
    %broadcast_in_dim3A = vector.broadcast %jit3A : f32 to vector<576x576xf32>
    %broadcast_in_dim3A_23 = vector.broadcast %jit3A_22 : f32 to vector<576x576xf32>
    %select_n3A = arith.select %or3A, %broadcast_in_dim3A, %broadcast_in_dim3A_23 : vector<576x576xi1>, vector<576x576xf32>
    %dot_general3A = arith.constant dense<0.000000e+00> : vector<576x256xf32>
    %dot_general3A_24 = tpu.matmul %select_n3A, %get3A_3, %dot_general3A {dimension_numbers = #tpu.dot_dimension_numbers<[1], [0], [0], [1], [0, 0, 1, 1], [], []>, transpose_lhs_hint = false} : vector<576x576xf32>, vector<576x256xf32>, vector<576x256xf32> -> vector<576x256xf32>
    %div3A = arith.constant 1.000000e+01 : f32
    %div3A_25 = vector.broadcast %div3A : f32 to vector<576x256xf32>
    %div3A_26 = arith.divf %dot_general3A_24, %div3A_25 : vector<576x256xf32>
    %add3A = arith.addf %get3A_3, %div3A_26 : vector<576x256xf32>
    %get3A_27 = arith.constant 0 : index
    %get3A_28 = arith.constant 0 : index
    %get3A_29 = vector.load %arg5[%get3A_27, %get3A_28] : memref<256x256xf32, #tpu.memory_space<vmem>>, vector<256x256xf32>
    %dot_general3A_30 = arith.constant dense<0.000000e+00> : vector<576x256xf32>
    %dot_general3A_31 = tpu.matmul %add3A, %get3A_29, %dot_general3A_30 {dimension_numbers = #tpu.dot_dimension_numbers<[1], [0], [0], [1], [0, 0, 1, 1], [], []>, transpose_lhs_hint = false} : vector<576x256xf32>, vector<256x256xf32>, vector<576x256xf32> -> vector<576x256xf32>
    %get3A_32 = arith.constant 0 : index
    %get3A_33 = arith.constant 0 : index
    %get3A_34 = vector.load %arg6[%get3A_32, %get3A_33] : memref<1x256xf32, #tpu.memory_space<vmem>>, vector<1x256xf32>
    %add3A_35 = vector.broadcast %get3A_34 : vector<1x256xf32> to vector<576x256xf32>
    %add3A_36 = arith.addf %dot_general3A_31, %add3A_35 : vector<576x256xf32>
    %max3A = arith.constant 0.000000e+00 : f32
    %max3A_37 = vector.broadcast %max3A : f32 to vector<576x256xf32>
    %max3A_38 = arith.maximumf %add3A_36, %max3A_37 : vector<576x256xf32>
    %swap3A = arith.constant 0 : index
    %swap3A_39 = arith.constant 0 : index
    %swap3A_40 = arith.constant 0 : index
    %swap3A_41 = vector.load %arg9[%swap3A, %swap3A_39, %swap3A_40] : memref<1x576x256xf32, #tpu.memory_space<vmem>>, vector<1x576x256xf32>
    %swap3A_42 = vector.shape_cast %swap3A_41 : vector<1x576x256xf32> to vector<576x256xf32>
    %swap3A_43 = vector.shape_cast %max3A_38 : vector<576x256xf32> to vector<1x576x256xf32>
    tpu.vector_store %arg9[%swap3A, %swap3A_39, %swap3A_40], %swap3A_43 {strides = array<i32>} : memref<1x576x256xf32, #tpu.memory_space<vmem>>, vector<1x576x256xf32>,
    %get3A_44 = arith.constant 0 : index
    %get3A_45 = arith.constant 0 : index
    %get3A_46 = vector.load %arg7[%get3A_44, %get3A_45] : memref<576x256xf32, #tpu.memory_space<vmem>>, vector<576x256xf32>
    %mul3A = arith.mulf %max3A_38, %get3A_46 : vector<576x256xf32>
    %reduce_sum3A = arith.constant dense<0.000000e+00> : vector<256xf32>
    %reduce_sum3A_47 = vector.multi_reduction <add>, %mul3A, %reduce_sum3A [0] : vector<576x256xf32> to vector<256xf32>
    %broadcast_in_dim3A_48 = vector.shape_cast %reduce_sum3A_47 : vector<256xf32> to vector<1x256xf32>
    %reduce_sum3A_49 = arith.constant dense<0.000000e+00> : vector<1xf32>
    %reduce_sum3A_50 = vector.multi_reduction <add>, %broadcast_in_dim3A_48, %reduce_sum3A_49 [1] : vector<1x256xf32> to vector<1xf32>
    %broadcast_in_dim3A_51 = vector.shape_cast %reduce_sum3A_50 : vector<1xf32> to vector<1x1xf32>
    %get3A_52 = arith.constant 0 : index
    %get3A_53 = arith.constant 0 : index
    %get3A_54 = vector.load %arg8[%get3A_52, %get3A_53] : memref<1x1xf32, #tpu.memory_space<vmem>>, vector<1x1xf32>
    %add3A_55 = arith.addf %broadcast_in_dim3A_51, %get3A_54 : vector<1x1xf32>
    %swap3A_56 = arith.index_cast %arg0 : i32 to index
    %swap3A_57 = arith.constant 0 : index
    %swap3A_58 = vector.load %arg10[%swap3A_56, %swap3A_57] : memref<8x1xf32, #tpu.memory_space<vmem>>, vector<1x1xf32>
    tpu.vector_store %arg10[%swap3A_56, %swap3A_57], %add3A_55 {strides = array<i32>} : memref<8x1xf32, #tpu.memory_space<vmem>>, vector<1x1xf32>,
    return
  }
  func.func @transform_0(%arg0: i32) -> (i32, i32, i32) {
    %c0_i32 = arith.constant 0 : i32
    %c0_i32_0 = arith.constant 0 : i32
    %c0_i32_1 = arith.constant 0 : i32
    return %arg0, %c0_i32, %c0_i32_0 : i32, i32, i32
  }
  func.func @transform_1(%arg0: i32) -> (i32, i32, i32) {
    %c0_i32 = arith.constant 0 : i32
    %c0_i32_0 = arith.constant 0 : i32
    %c0_i32_1 = arith.constant 0 : i32
    return %arg0, %c0_i32, %c0_i32_0 : i32, i32, i32
  }
  func.func @transform_2(%arg0: i32) -> (i32, i32, i32) {
    %c0_i32 = arith.constant 0 : i32
    %c0_i32_0 = arith.constant 0 : i32
    %c0_i32_1 = arith.constant 0 : i32
    return %arg0, %c0_i32, %c0_i32_0 : i32, i32, i32
  }
  func.func @transform_3(%arg0: i32) -> (i32, i32, i32) {
    %c0_i32 = arith.constant 0 : i32
    %c0_i32_0 = arith.constant 0 : i32
    %c0_i32_1 = arith.constant 0 : i32
    return %arg0, %c0_i32, %c0_i32_0 : i32, i32, i32
  }
  func.func @transform_4(%arg0: i32) -> (i32, i32) {
    %c0_i32 = arith.constant 0 : i32
    %c0_i32_0 = arith.constant 0 : i32
    %c0_i32_1 = arith.constant 0 : i32
    return %c0_i32, %c0_i32_0 : i32, i32
  }
  func.func @transform_5(%arg0: i32) -> (i32, i32) {
    %c0_i32 = arith.constant 0 : i32
    %c0_i32_0 = arith.constant 0 : i32
    %c0_i32_1 = arith.constant 0 : i32
    return %c0_i32, %c0_i32_0 : i32, i32
  }
  func.func @transform_6(%arg0: i32) -> (i32, i32) {
    %c0_i32 = arith.constant 0 : i32
    %c0_i32_0 = arith.constant 0 : i32
    %c0_i32_1 = arith.constant 0 : i32
    return %c0_i32, %c0_i32_0 : i32, i32
  }
  func.func @transform_7(%arg0: i32) -> (i32, i32) {
    %c0_i32 = arith.constant 0 : i32
    %c0_i32_0 = arith.constant 0 : i32
    %c0_i32_1 = arith.constant 0 : i32
    return %c0_i32, %c0_i32_0 : i32, i32
  }
  func.func @transform_8(%arg0: i32) -> (i32, i32, i32) {
    %c0_i32 = arith.constant 0 : i32
    %c0_i32_0 = arith.constant 0 : i32
    %c0_i32_1 = arith.constant 0 : i32
    return %arg0, %c0_i32, %c0_i32_0 : i32, i32, i32
  }
  func.func @transform_9(%arg0: i32) -> (i32, i32) {
    %c0_i32 = arith.constant 0 : i32
    %c0_i32_0 = arith.constant 0 : i32
    %c0_i32_1 = arith.constant 0 : i32
    return %c0_i32, %c0_i32_0 : i32, i32
  }
}

</mosaic_0001>

<sc_bundles>
// kernel: _run.5.cloned.1.call-start
scs
__scs_entry_jumppad:
0x0: {  	(pc) =	sbr.rel $0x88, $3  }
0x1: {  	(tag) =	ssettag $0x0;
	lr =	simm.s32 $0x1  }
0x2: {  	[smem:$0x3F9A] =	sst lr;
	_ =	strace $0xD0000000  }
0x3: {  	_ = 	snop  }
0x4: {  	_ = 	snop  }
0x5: {  	_ = 	snop  }
0x6: {  	_ = 	snop  }
0x7: {  	_ = 	snop  }
__scs_overlays_trampoline_lowered:
0x8: {  	[smem:$0x3FA9] =	sst s0  }
0x9: {  	[smem:$0x3FAA] =	sst s1  }
0xa: {  	[smem:$0x3FAB] =	sst s2  }
0xb: {  	[smem:$0x3FAC] =	sst s3  }
0xc: {  	[smem:$0x3FAD] =	sst s4  }
0xd: {  	[smem:$0x3FAE] =	sst s5  }
0xe: {  	[smem:$0x3FAF] =	sst s6  }
0xf: {  	[smem:$0x3FB0] =	sst s7  }
0x10: {  	[smem:$0x3FB1] =	sst s8  }
0x11: {  	[smem:$0x3FB2] =	sst s9;
	s0 =	simm.s32 @!p0 $0x0  }
0x12: {  	s1 =	sld [smem:$0x3F98];
	s0 =	simm.s32 @p0 $0x1  }
0x13: {  	[smem:$0x3FB3] =	sst s0;
	s0 =	simm.s32 @!p1 $0x0  }
0x14: {  	s2 =	sld [smem:$0x3F97];
	s0 =	simm.s32 @p1 $0x1  }
0x15: {  	[smem:$0x3FB4] =	sst s0;
	s0 =	simm.s32 @!p2 $0x0  }
0x16: {  	s3 =	sld [smem:$0x3FDB];
	s0 =	simm.s32 @p2 $0x1  }
0x17: {  	s4 =	simm.s32 $0x1BF5;
	[smem:$0x3FB6] =	sst s0  }
0x18: {  	s0 =	sld [smem:$0x3F99];
	_ =	swait.ge [sflag:s4], $0x0  }
0x19: {  	s7 =	sld [smem:$0x3F9A]  }
0x1a: {  	s8 =	sadd.s32 $0xFFFFE003, lr  }
0x1b: {  	s9 =	sadd.s32 $0xFFFFFEF7, lr;
	s5 =	simm.s32 $0xFFFFFFFF;
	p2 =	slt.u32 s8, $0xFFFFF086  }
0x1c: {  	p1 =	slt.u32 s9, $0xF7A;
	s5 =	simm.s32 @!p2 $0x0  }
0x1d: {  	s5 =	simm.s32 @p1 $0x1;
	p0 =	seq.s32 s7, s2  }
0x1e: {  	s7 =	smul.u32 @!p0 $0xF7A, s2;
	p2 =	seq.s32 @!p0 s5, $0x0  }
0x1f: {  	s9 =	smul.u32 $0xF7A, s1;
	s8 =	simm.s32 @!p0 $0x1BF5;
	p2 =	por !p2, p0  }
0x20: {  	[sflag:s8] =	ssyncset.s32 @!p0 $0xFFFFF086;
	s6 =	sadd.s32 @!p0 s3, s7;
	s7 =	simm.s32 @!p0 $0x108  }
0x21: {  	s3 =	sadd.s32 s3, s9;
	s6 =	sadd.s32 @!p0 $0x88, s6;
	s7 =	simm.s32 @p2 $0x1082  }
0x22: {  	[simem:s7], [sflag:s8] =	dma.local @!p0 [hbm:s6], $0xF7A  }
0x23: {  	s9 =	sor.u32 $0xD0000000, s2;
	s6 =	simm.s32 $0x108;
	_ =	swait.ge @!p0 [sflag:s8], $0x0  }
0x24: {  	s3 =	sadd.s32 $0x88, s3;
	s6 =	simm.s32 @!p1 $0x1082;
	[sflag:s4] =	ssyncset.s32 $0xFFFFF086  }
0x25: {  	[simem:s6], [sflag:s4] =	dma.local [hbm:s3], $0xF7A  }
0x26: {  	[smem:$0x3F9A] =	sst s1;
	(tag) =	ssettag s2;
	_ =	strace s9  }
0x27: {  	s1 =	sld [smem:$0x3FAA]  }
0x28: {  	s2 =	sld [smem:$0x3FAB]  }
0x29: {  	s4 =	sld [smem:$0x3FAD]  }
0x2a: {  	p0 =	seq.s32 s5, $0x0;
	s5 =	sld [smem:$0x3FAE]  }
0x2b: {  	s6 =	sld [smem:$0x3FAF]  }
0x2c: {  	s7 =	sld [smem:$0x3FB0]  }
0x2d: {  	s3 =	simm.s32 $0x108;
	s8 =	sld [smem:$0x3FB1]  }
0x2e: {  	s3 =	simm.s32 @!p0 $0x1082;
	s9 =	sld [smem:$0x3FB2]  }
0x2f: {  	lr =	sadd.s32 s0, s3;
	s0 =	sld [smem:$0x3FA9]  }
0x30: {  	s3 =	sld [smem:$0x3FAC]  }
0x31: {  	[smem:$0x3FB5] =	sst s10  }
0x32: {  	s10 =	sld [smem:$0x3FB3];
	_ =	sdelay $0x3  }
0x33: {  	p0 =	seq.s32 s10, $0x1;
	s10 =	sld [smem:$0x3FB5];
	_ =	sdelay $0x3  }
0x34: {  	[smem:$0x3FB5] =	sst s10  }
0x35: {  	s10 =	sld [smem:$0x3FB4];
	_ =	sdelay $0x3  }
0x36: {  	p1 =	seq.s32 s10, $0x1;
	s10 =	sld [smem:$0x3FB5];
	_ =	sdelay $0x3  }
0x37: {  	[smem:$0x3FB5] =	sst s10  }
0x38: {  	s10 =	sld [smem:$0x3FB6]  }
0x39: {  	_ = 	snop;
	(pc) =	sbr.ind lr, $3  }
0x3a: {  	_ = 	snop  }
0x3b: {  	_ = 	snop  }
0x3c: {  	p2 =	seq.s32 s10, $0x1;
	s10 =	sld [smem:$0x3FB5]  }
0x3d: {  	_ =	shalt  }
0x3e: {  	_ =	shalt  }
0x3f: {  	_ =	shalt  }
0x40: {  	_ =	shalt  }
0x41: {  	_ =	shalt  }
0x42: {  	_ =	shalt  }
0x43: {  	_ =	shalt  }
0x44: {  	_ =	shalt  }
0x45: {  	_ =	shalt  }
0x46: {  	_ =	shalt  }
0x47: {  	_ =	shalt  }
0x48: {  	_ =	shalt  }
0x49: {  	_ =	shalt  }
0x4a: {  	_ =	shalt  }
0x4b: {  	_ =	shalt  }
0x4c: {  	_ =	shalt  }
0x4d: {  	_ =	shalt  }
0x4e: {  	_ =	shalt  }
0x4f: {  	_ =	shalt  }
0x50: {  	_ =	shalt  }
0x51: {  	_ =	shalt  }
0x52: {  	_ =	shalt  }
0x53: {  	_ =	shalt  }
0x54: {  	_ =	shalt  }
0x55: {  	_ =	shalt  }
0x56: {  	_ =	shalt  }
0x57: {  	_ =	shalt  }
0x58: {  	_ =	shalt  }
0x59: {  	_ =	shalt  }
0x5a: {  	_ =	shalt  }
0x5b: {  	_ =	shalt  }
0x5c: {  	_ =	shalt  }
0x5d: {  	_ =	shalt  }
0x5e: {  	_ =	shalt  }
0x5f: {  	_ =	shalt  }
0x60: {  	_ =	shalt  }
0x61: {  	_ =	shalt  }
0x62: {  	_ =	shalt  }
0x63: {  	_ =	shalt  }
0x64: {  	_ =	shalt  }
0x65: {  	_ =	shalt  }
0x66: {  	_ =	shalt  }
0x67: {  	_ =	shalt  }
0x68: {  	_ =	shalt  }
0x69: {  	_ =	shalt  }
0x6a: {  	_ =	shalt  }
0x6b: {  	_ =	shalt  }
0x6c: {  	_ =	shalt  }
0x6d: {  	_ =	shalt  }
0x6e: {  	_ =	shalt  }
0x6f: {  	_ =	shalt  }
0x70: {  	_ =	shalt  }
0x71: {  	_ =	shalt  }
0x72: {  	_ =	shalt  }
0x73: {  	_ =	shalt  }
0x74: {  	_ =	shalt  }
0x75: {  	_ =	shalt  }
0x76: {  	_ =	shalt  }
0x77: {  	_ =	shalt  }
0x78: {  	_ =	shalt  }
0x79: {  	_ =	shalt  }
0x7a: {  	_ =	shalt  }
0x7b: {  	_ =	shalt  }
0x7c: {  	_ =	shalt  }
0x7d: {  	_ =	shalt  }
0x7e: {  	_ =	shalt  }
0x7f: {  	_ =	shalt  }
0x80: {  	_ =	shalt  }
0x81: {  	_ =	shalt  }
0x82: {  	_ =	shalt  }
0x83: {  	_ =	shalt  }
0x84: {  	_ =	shalt  }
0x85: {  	_ =	shalt  }
0x86: {  	_ =	shalt  }
0x87: {  	_ =	shalt  }
.Lfunc_end0:
.L_simem_size_0:
called_computation_lowered:
.L_overlay_start_0:
0x88: {  	s2 =	sld [smem:$0x3FD9]  }
0x89: {  	s3 =	sld [smem:$0x3FFE];
	_ =	sdelay $0x1  }
0x8a: {  	s1 =	srdreg.scid  }
0x8b: {  	s0 =	sand.u32 $0x1, s1  }
0x8c: {  	s14 =	sshll.u32 s0, $0xA;
	s2 =	sadd.s32 s3, s2  }
0x8d: {  	s2 =	sadd.s32 s2, s14  }
0x8e: {  	[smem:$0x3FC1] =	sst s2  }
0x8f: {  	_ = 	snop  }
0x90: {  	s2 =	sld [smem:$0x3FD0];
	_ =	sdelay $0x2  }
0x91: {  	s15 =	simm.s32 $0xA;
	s4 =	simm.s32 $0x10  }
0x92: {  	[smem:s4], [sflag:s15] =	dma.local [hbm:s2], $0x1  }
0x93: {  	_ =	swait.eq [sflag:s15], $0x1  }
0x94: {  	[sflag:s15] =	ssyncset.done $0x0  }
0x95: {  	[sflag:s15] =	ssyncadd.s32 $0xFFFFFFFF  }
0x96: {  	s16 =	sld [smem:$0x11];
	(tm) =	ssettm $0x1  }
0x97: {  	s17 =	sld [smem:$0x3FFB];
	_ =	sdelay $0x3  }
0x98: {  	_ =	strace s17  }
0x99: {  	s3 =	sld [smem:$0x3FFC];
	_ =	sdelay $0x3  }
0x9a: {  	_ =	strace s3  }
0x9b: {  	s3 =	sld [smem:$0x3FFD];
	_ =	sdelay $0x3  }
0x9c: {  	_ =	strace s3  }
0x9d: {  	_ =	strace $0x8FFFFFFF  }
0x9e: {  	s18 =	sld [smem:$0x3FDB];
	_ =	sdelay $0x1  }
0x9f: {  	s19 =	simm.s32 $_scs_section_size  }
0xa0: {  	s5 =	simm.s32 $_size__tile_overlayer_lowered;
	s6 =	simm.s32 $_tile_overlayer_lowered  }
0xa1: {  	s22 =	simm.s32 $0x1BFF;
	s21 =	sshll.u32 s6, $0x1;
	s3 =	sadd.s32 s19, s18  }
0xa2: {  	s7 =	simm.s32 $0x0;
	s20 =	sshll.u32 s5, $0x1;
	s5 =	sadd.s32 s21, s3  }
0xa3: {  	[timem:s7], [sflag:s22] =	dma.local [hbm:s5], s20  }
0xa4: {  	_ =	swait.ge [sflag:s22], s20  }
0xa5: {  	s4 =	ssub.s32 $0x0, s20;
	[sflag:s22] =	ssyncset.done $0x0  }
0xa6: {  	[sflag:s22] =	ssyncadd.s32 s4;
	_ =	sdelay $0x1  }
0xa7: {  	s23 =	simm.s32 $0x1B8B  }
0xa8: {  	_ =	swait.ge [sflag:s23], $0x1  }
0xa9: {  	[sflag:s23] =	ssyncset.done $0x0  }
0xaa: {  	s25 =	simm.s32 $0x1B8E;
	s24 =	sld [smem:$0x3FFE];
	[sflag:s23] =	ssyncadd.s32 $0xFFFFFFFF  }
0xab: {  	s26 =	simm.s32 $execute0_lowered;
	[smem:$0x3FD2] =	sst s25  }
0xac: {  	s5 =	sshll.u32 s26, $0x1;
	_ =	strace $0x80000046;
	[dreg:$0x1] =	wrdreg $0xFFFFFFFF  }
0xad: {  	s28 =	simm.s32 $_size_execute0_lowered;
	s3 =	sadd.s32 s3, s5;
	[dreg:$0x0] =	wrdreg $0x0  }
0xae: {  	s5 =	sshll.u32 s28, $0x1;
	[dreg:$0x2] =	wrdreg s3  }
0xaf: {  	[dreg:$0x3] =	wrdreg s5  }
0xb0: {  	[dreg:$0x4] =	wrdreg $0xC0  }
0xb1: {  	_ =	task [dreg:s7], $0x5FFFF  }
0xb2: {  	[dreg:$0x1] =	wrdreg $0xFFFFFFFF  }
0xb3: {  	[dreg:$0x0] =	wrdreg $0x60  }
0xb4: {  	[dreg:$0x2] =	wrdreg s24  }
0xb5: {  	[dreg:$0x3] =	wrdreg s16  }
0xb6: {  	[dreg:$0x4] =	wrdreg $0x9  }
0xb7: {  	_ =	task.clear_ibuf [dreg:s7], $0x5FFFF;
	_ =	strace $0x90000046  }
0xb8: {  	s29 =	simm.s32 $0x9;
	_ =	strace $0x80000048  }
0xb9: {  	_ =	swait.ge [sflag:s29], $0x1  }
0xba: {  	[sflag:s29] =	ssyncadd.s32 $0xFFFFFFFF  }
0xbb: {  	_ =	strace $0x90000048  }
0xbc: {  	_ =	sfence  }
0xbd: {  	s30 =	sld [smem:$0x0];
	_ =	sdelay $0x2  }
0xbe: {  	s31 =	sshll.u32 s1, $0xD;
	s1 =	sshrl.u32 s1, $0x2  }
0xbf: {  	s3 =	sand.u32 $0x4000, s31;
	s1 =	sadd.s32 s1, s30  }
0xc0: {  	s0 =	sor.u32 s3, s0;
	s1 =	sshll.u32 s1, $0x11  }
0xc1: {  	s0 =	sor.u32 s1, s0  }
0xc2: {  	s0 =	sadd.s32 $0x8F2B, s0  }
0xc3: {  	[sflag:s0] =	ssyncadd.remote.s32 $0x1  }
0xc4: {  	_ =	sfence.sel $0xFFFF  }
0xc5: {  	[dreg:$0x0] =	wrdreg $0xFFFFFFFF;
	(pc) =	sbr.abs _section_cstart, $3  }
0xc6: {  	[dreg:$0x1] =	wrdreg $0xFFFFFFFF  }
0xc7: {  	_ =	task.clear_ibuf [dreg:s7], $0x2FFFF;
	_ =	strace $0x9FFFFFFF  }
0xc8: {  	(tm) =	ssettm $0x7FFFFFFF  }
0xc9: {  	_ =	shalt  }
tec
execute0_lowered:
.L_overlay_start_1:
0x0: {  	(tag) =	ssettag $0x1  }
0x1: {  	v0 =	vimm.f32 $1.500000000e+01;
	vm14 =	vcmask $0x300;
	vm13 =	vcmask $0x704  }
0x2: {  	vm12 =	vcmask $0xB08;
	vm11 =	vcmask $0xF0C;
	vm10 =	vcmask $0x1310  }
0x3: {  	vm9 =	vcmask $0x1714;
	vm8 =	vcmask $0x1B18;
	vm6 =	vcmask $0x1F1C  }
0x4: {  	vm1 =	vcmask $0x2320;
	v1 =	vimm.f32 $3.100000000e+01;
	v2 =	vimm.f32 $4.700000000e+01  }
0x5: {  	vm0 =	vcmask $0x2724;
	vm2 =	vcmask $0x2B28;
	vm4 =	vcmask $0x2F2C  }
0x6: {  	vm5 =	vcmask $0x3330;
	vm3 =	vcmask $0x3734;
	vm7 =	vcmask $0x3B38  }
0x7: {  	v3 =	vimm.f32 $6.300000000e+01;
	v4 =	vimm.f32 $7.900000000e+01;
	v5 =	vimm.f32 $9.500000000e+01  }
0x8: {  	v6 =	vimm.f32 $1.110000000e+02;
	v7 =	vimm.f32 $1.270000000e+02;
	v8 =	vimm.f32 $1.430000000e+02  }
0x9: {  	v9 =	vimm.f32 $1.590000000e+02;
	v10 =	vimm.f32 $1.750000000e+02;
	v11 =	vimm.f32 $1.910000000e+02  }
0xa: {  	v12 =	vimm.f32 $2.070000000e+02;
	v13 =	vimm.f32 $2.230000000e+02;
	v14 =	vimm.f32 $2.390000000e+02  }
0xb: {  	v15 =	vimm.f32 $2.550000000e+02;
	v16 =	vimm.f32 $2.710000000e+02;
	v17 =	vimm.f32 $2.870000000e+02  }
0xc: {  	v18 =	vimm.f32 $3.030000000e+02;
	v19 =	vimm.f32 $3.190000000e+02;
	v20 =	vimm.f32 $3.350000000e+02  }
0xd: {  	v21 =	vimm.f32 $3.510000000e+02;
	v22 =	vimm.f32 $3.670000000e+02;
	v23 =	vimm.f32 $3.830000000e+02  }
0xe: {  	v24 =	vimm.f32 $3.990000000e+02;
	v25 =	vimm.f32 $4.150000000e+02;
	v26 =	vimm.f32 $4.310000000e+02  }
0xf: {  	v27 =	vimm.f32 $4.470000000e+02;
	v28 =	vimm.f32 $4.630000000e+02;
	v29 =	vimm.f32 $4.790000000e+02  }
0x10: {  	v30 =	vimm.f32 $4.950000000e+02;
	v31 =	vimm.f32 $5.110000000e+02;
	v32 =	vimm.f32 $5.270000000e+02  }
0x11: {  	v33 =	vimm.f32 $5.430000000e+02;
	v34 =	vimm.f32 $5.590000000e+02;
	v35 =	vimm.f32 $5.750000000e+02  }
0x12: {  	v36 =	vlaneseq.u32;
	v0 =	vsel vm14, $0x0, v0;
	v1 =	vsel vm14, $0x41800000, v1  }
0x13: {  	v2 =	vsel vm14, $0x42000000, v2;
	v3 =	vsel vm14, $0x42400000, v3;
	v4 =	vsel vm14, $0x42800000, v4  }
0x14: {  	v5 =	vsel vm14, $0x42A00000, v5;
	v6 =	vsel vm14, $0x42C00000, v6;
	v7 =	vsel vm14, $0x42E00000, v7  }
0x15: {  	v8 =	vsel vm14, $0x43000000, v8;
	v9 =	vsel vm14, $0x43100000, v9;
	v10 =	vsel vm14, $0x43200000, v10  }
0x16: {  	v11 =	vsel vm14, $0x43300000, v11;
	v12 =	vsel vm14, $0x43400000, v12;
	v13 =	vsel vm14, $0x43500000, v13  }
0x17: {  	v14 =	vsel vm14, $0x43600000, v14;
	v15 =	vsel vm14, $0x43700000, v15;
	v16 =	vsel vm14, $0x43800000, v16  }
0x18: {  	v17 =	vsel vm14, $0x43880000, v17;
	v18 =	vsel vm14, $0x43900000, v18;
	v19 =	vsel vm14, $0x43980000, v19  }
0x19: {  	v20 =	vsel vm14, $0x43A00000, v20;
	v21 =	vsel vm14, $0x43A80000, v21;
	v22 =	vsel vm14, $0x43B00000, v22  }
0x1a: {  	v23 =	vsel vm14, $0x43B80000, v23;
	v24 =	vsel vm14, $0x43C00000, v24;
	v25 =	vsel vm14, $0x43C80000, v25  }
0x1b: {  	v26 =	vsel vm14, $0x43D00000, v26;
	v27 =	vsel vm14, $0x43D80000, v27;
	v28 =	vsel vm14, $0x43E00000, v28  }
0x1c: {  	v29 =	vsel vm14, $0x43E80000, v29;
	v30 =	vsel vm14, $0x43F00000, v30;
	v31 =	vsel vm14, $0x43F80000, v31  }
0x1d: {  	v32 =	vsel vm14, $0x44000000, v32;
	v33 =	vsel vm14, $0x44040000, v33;
	v34 =	vsel vm14, $0x44080000, v34  }
0x1e: {  	v35 =	vsel vm14, $0x440C0000, v35;
	v36 =	vmul.u32 $0xFFFFFFFF, v36;
	v0 =	vsel vm13, $0x3F800000, v0  }
0x1f: {  	v1 =	vsel vm13, $0x41880000, v1;
	v2 =	vsel vm13, $0x42040000, v2;
	v3 =	vsel vm13, $0x42440000, v3  }
0x20: {  	v4 =	vsel vm13, $0x42820000, v4;
	v5 =	vsel vm13, $0x42A20000, v5;
	v6 =	vsel vm13, $0x42C20000, v6  }
0x21: {  	v7 =	vsel vm13, $0x42E20000, v7;
	v8 =	vsel vm13, $0x43010000, v8;
	v9 =	vsel vm13, $0x43110000, v9  }
0x22: {  	v10 =	vsel vm13, $0x43210000, v10;
	v11 =	vsel vm13, $0x43310000, v11;
	v12 =	vsel vm13, $0x43410000, v12  }
0x23: {  	v13 =	vsel vm13, $0x43510000, v13;
	v14 =	vsel vm13, $0x43610000, v14;
	v15 =	vsel vm13, $0x43710000, v15  }
0x24: {  	v16 =	vsel vm13, $0x43808000, v16;
	v17 =	vsel vm13, $0x43888000, v17;
	v18 =	vsel vm13, $0x43908000, v18  }
0x25: {  	v19 =	vsel vm13, $0x43988000, v19;
	v20 =	vsel vm13, $0x43A08000, v20;
	v21 =	vsel vm13, $0x43A88000, v21  }
0x26: {  	v22 =	vsel vm13, $0x43B08000, v22;
	v23 =	vsel vm13, $0x43B88000, v23;
	v24 =	vsel vm13, $0x43C08000, v24  }
0x27: {  	v25 =	vsel vm13, $0x43C88000, v25;
	v26 =	vsel vm13, $0x43D08000, v26;
	v27 =	vsel vm13, $0x43D88000, v27  }
0x28: {  	v28 =	vsel vm13, $0x43E08000, v28;
	v29 =	vsel vm13, $0x43E88000, v29;
	v30 =	vsel vm13, $0x43F08000, v30  }
0x29: {  	v31 =	vsel vm13, $0x43F88000, v31;
	v32 =	vsel vm13, $0x44004000, v32;
	v33 =	vsel vm13, $0x44044000, v33  }
0x2a: {  	v34 =	vsel vm13, $0x44084000, v34;
	v35 =	vsel vm13, $0x440C4000, v35;
	v0 =	vsel vm12, $0x40000000, v0  }
0x2b: {  	v1 =	vsel vm12, $0x41900000, v1;
	v2 =	vsel vm12, $0x42080000, v2;
	v3 =	vsel vm12, $0x42480000, v3  }
0x2c: {  	v4 =	vsel vm12, $0x42840000, v4;
	v5 =	vsel vm12, $0x42A40000, v5;
	v6 =	vsel vm12, $0x42C40000, v6  }
0x2d: {  	v7 =	vsel vm12, $0x42E40000, v7;
	v8 =	vsel vm12, $0x43020000, v8;
	v9 =	vsel vm12, $0x43120000, v9  }
0x2e: {  	v10 =	vsel vm12, $0x43220000, v10;
	v11 =	vsel vm12, $0x43320000, v11;
	v12 =	vsel vm12, $0x43420000, v12  }
0x2f: {  	v13 =	vsel vm12, $0x43520000, v13;
	v14 =	vsel vm12, $0x43620000, v14;
	v15 =	vsel vm12, $0x43720000, v15  }
0x30: {  	v16 =	vsel vm12, $0x43810000, v16;
	v17 =	vsel vm12, $0x43890000, v17;
	v18 =	vsel vm12, $0x43910000, v18  }
0x31: {  	v19 =	vsel vm12, $0x43990000, v19;
	v20 =	vsel vm12, $0x43A10000, v20;
	v21 =	vsel vm12, $0x43A90000, v21  }
0x32: {  	v22 =	vsel vm12, $0x43B10000, v22;
	v23 =	vsel vm12, $0x43B90000, v23;
	v24 =	vsel vm12, $0x43C10000, v24  }
0x33: {  	v25 =	vsel vm12, $0x43C90000, v25;
	v26 =	vsel vm12, $0x43D10000, v26;
	v27 =	vsel vm12, $0x43D90000, v27  }
0x34: {  	v28 =	vsel vm12, $0x43E10000, v28;
	v29 =	vsel vm12, $0x43E90000, v29;
	v30 =	vsel vm12, $0x43F10000, v30  }
0x35: {  	v31 =	vsel vm12, $0x43F90000, v31;
	v32 =	vsel vm12, $0x44008000, v32;
	v33 =	vsel vm12, $0x44048000, v33  }
0x36: {  	v34 =	vsel vm12, $0x44088000, v34;
	v35 =	vsel vm12, $0x440C8000, v35;
	v36 =	vadd.s32 $0xF, v36  }
0x37: {  	v0 =	vsel vm11, $0x40400000, v0;
	v1 =	vsel vm11, $0x41980000, v1;
	v2 =	vsel vm11, $0x420C0000, v2  }
0x38: {  	v3 =	vsel vm11, $0x424C0000, v3;
	v4 =	vsel vm11, $0x42860000, v4;
	v5 =	vsel vm11, $0x42A60000, v5  }
0x39: {  	v6 =	vsel vm11, $0x42C60000, v6;
	v7 =	vsel vm11, $0x42E60000, v7;
	v8 =	vsel vm11, $0x43030000, v8  }
0x3a: {  	v9 =	vsel vm11, $0x43130000, v9;
	v10 =	vsel vm11, $0x43230000, v10;
	v11 =	vsel vm11, $0x43330000, v11  }
0x3b: {  	v12 =	vsel vm11, $0x43430000, v12;
	v13 =	vsel vm11, $0x43530000, v13;
	v14 =	vsel vm11, $0x43630000, v14  }
0x3c: {  	v15 =	vsel vm11, $0x43730000, v15;
	v16 =	vsel vm11, $0x43818000, v16;
	v17 =	vsel vm11, $0x43898000, v17  }
0x3d: {  	v18 =	vsel vm11, $0x43918000, v18;
	v19 =	vsel vm11, $0x43998000, v19;
	v20 =	vsel vm11, $0x43A18000, v20  }
0x3e: {  	v21 =	vsel vm11, $0x43A98000, v21;
	v22 =	vsel vm11, $0x43B18000, v22;
	v23 =	vsel vm11, $0x43B98000, v23  }
0x3f: {  	v24 =	vsel vm11, $0x43C18000, v24;
	v25 =	vsel vm11, $0x43C98000, v25;
	v26 =	vsel vm11, $0x43D18000, v26  }
0x40: {  	v27 =	vsel vm11, $0x43D98000, v27;
	v28 =	vsel vm11, $0x43E18000, v28;
	v29 =	vsel vm11, $0x43E98000, v29  }
0x41: {  	v30 =	vsel vm11, $0x43F18000, v30;
	v31 =	vsel vm11, $0x43F98000, v31;
	v32 =	vsel vm11, $0x4400C000, v32  }
0x42: {  	v33 =	vsel vm11, $0x4404C000, v33;
	v34 =	vsel vm11, $0x4408C000, v34;
	v35 =	vsel vm11, $0x440CC000, v35  }
0x43: {  	v0 =	vsel vm10, $0x40800000, v0;
	v1 =	vsel vm10, $0x41A00000, v1;
	v2 =	vsel vm10, $0x42100000, v2  }
0x44: {  	v3 =	vsel vm10, $0x42500000, v3;
	v4 =	vsel vm10, $0x42880000, v4;
	v5 =	vsel vm10, $0x42A80000, v5  }
0x45: {  	v6 =	vsel vm10, $0x42C80000, v6;
	v7 =	vsel vm10, $0x42E80000, v7;
	v8 =	vsel vm10, $0x43040000, v8  }
0x46: {  	v9 =	vsel vm10, $0x43140000, v9;
	v10 =	vsel vm10, $0x43240000, v10;
	v11 =	vsel vm10, $0x43340000, v11  }
0x47: {  	v12 =	vsel vm10, $0x43440000, v12;
	v13 =	vsel vm10, $0x43540000, v13;
	v14 =	vsel vm10, $0x43640000, v14  }
0x48: {  	v15 =	vsel vm10, $0x43740000, v15;
	v16 =	vsel vm10, $0x43820000, v16;
	v17 =	vsel vm10, $0x438A0000, v17  }
0x49: {  	v18 =	vsel vm10, $0x43920000, v18;
	v19 =	vsel vm10, $0x439A0000, v19;
	v20 =	vsel vm10, $0x43A20000, v20  }
0x4a: {  	v21 =	vsel vm10, $0x43AA0000, v21;
	v22 =	vsel vm10, $0x43B20000, v22;
	v23 =	vsel vm10, $0x43BA0000, v23  }
0x4b: {  	v24 =	vsel vm10, $0x43C20000, v24;
	v25 =	vsel vm10, $0x43CA0000, v25;
	v26 =	vsel vm10, $0x43D20000, v26  }
0x4c: {  	v27 =	vsel vm10, $0x43DA0000, v27;
	v28 =	vsel vm10, $0x43E20000, v28;
	v29 =	vsel vm10, $0x43EA0000, v29  }
0x4d: {  	v30 =	vsel vm10, $0x43F20000, v30;
	v31 =	vsel vm10, $0x43FA0000, v31;
	v32 =	vsel vm10, $0x44010000, v32  }
0x4e: {  	v33 =	vsel vm10, $0x44050000, v33;
	v34 =	vsel vm10, $0x44090000, v34;
	v35 =	vsel vm10, $0x440D0000, v35  }
0x4f: {  	v0 =	vsel vm9, $0x40A00000, v0;
	v1 =	vsel vm9, $0x41A80000, v1;
	v2 =	vsel vm9, $0x42140000, v2  }
0x50: {  	v3 =	vsel vm9, $0x42540000, v3;
	v4 =	vsel vm9, $0x428A0000, v4;
	v5 =	vsel vm9, $0x42AA0000, v5  }
0x51: {  	v6 =	vsel vm9, $0x42CA0000, v6;
	v7 =	vsel vm9, $0x42EA0000, v7;
	v8 =	vsel vm9, $0x43050000, v8  }
0x52: {  	v9 =	vsel vm9, $0x43150000, v9;
	v10 =	vsel vm9, $0x43250000, v10;
	v11 =	vsel vm9, $0x43350000, v11  }
0x53: {  	v12 =	vsel vm9, $0x43450000, v12;
	v13 =	vsel vm9, $0x43550000, v13;
	v14 =	vsel vm9, $0x43650000, v14  }
0x54: {  	v15 =	vsel vm9, $0x43750000, v15;
	v16 =	vsel vm9, $0x43828000, v16;
	v17 =	vsel vm9, $0x438A8000, v17  }
0x55: {  	v18 =	vsel vm9, $0x43928000, v18;
	v19 =	vsel vm9, $0x439A8000, v19;
	v20 =	vsel vm9, $0x43A28000, v20  }
0x56: {  	v21 =	vsel vm9, $0x43AA8000, v21;
	v22 =	vsel vm9, $0x43B28000, v22;
	v23 =	vsel vm9, $0x43BA8000, v23  }
0x57: {  	v24 =	vsel vm9, $0x43C28000, v24;
	v25 =	vsel vm9, $0x43CA8000, v25;
	v26 =	vsel vm9, $0x43D28000, v26  }
0x58: {  	v27 =	vsel vm9, $0x43DA8000, v27;
	v28 =	vsel vm9, $0x43E28000, v28;
	v29 =	vsel vm9, $0x43EA8000, v29  }
0x59: {  	v30 =	vsel vm9, $0x43F28000, v30;
	v31 =	vsel vm9, $0x43FA8000, v31;
	v32 =	vsel vm9, $0x44014000, v32  }
0x5a: {  	v33 =	vsel vm9, $0x44054000, v33;
	v34 =	vsel vm9, $0x44094000, v34;
	v35 =	vsel vm9, $0x440D4000, v35  }
0x5b: {  	v0 =	vsel vm8, $0x40C00000, v0;
	v1 =	vsel vm8, $0x41B00000, v1;
	v2 =	vsel vm8, $0x42180000, v2  }
0x5c: {  	v3 =	vsel vm8, $0x42580000, v3;
	v4 =	vsel vm8, $0x428C0000, v4;
	v5 =	vsel vm8, $0x42AC0000, v5  }
0x5d: {  	v6 =	vsel vm8, $0x42CC0000, v6;
	v7 =	vsel vm8, $0x42EC0000, v7;
	v8 =	vsel vm8, $0x43060000, v8  }
0x5e: {  	v9 =	vsel vm8, $0x43160000, v9;
	v10 =	vsel vm8, $0x43260000, v10;
	v11 =	vsel vm8, $0x43360000, v11  }
0x5f: {  	v12 =	vsel vm8, $0x43460000, v12;
	v13 =	vsel vm8, $0x43560000, v13;
	v14 =	vsel vm8, $0x43660000, v14  }
0x60: {  	v15 =	vsel vm8, $0x43760000, v15;
	v16 =	vsel vm8, $0x43830000, v16;
	v17 =	vsel vm8, $0x438B0000, v17  }
0x61: {  	v18 =	vsel vm8, $0x43930000, v18;
	v19 =	vsel vm8, $0x439B0000, v19;
	v20 =	vsel vm8, $0x43A30000, v20  }
0x62: {  	v21 =	vsel vm8, $0x43AB0000, v21;
	v22 =	vsel vm8, $0x43B30000, v22;
	v23 =	vsel vm8, $0x43BB0000, v23  }
0x63: {  	v24 =	vsel vm8, $0x43C30000, v24;
	v25 =	vsel vm8, $0x43CB0000, v25;
	v26 =	vsel vm8, $0x43D30000, v26  }
0x64: {  	v27 =	vsel vm8, $0x43DB0000, v27;
	v28 =	vsel vm8, $0x43E30000, v28;
	v29 =	vsel vm8, $0x43EB0000, v29  }
0x65: {  	v30 =	vsel vm8, $0x43F30000, v30;
	v31 =	vsel vm8, $0x43FB0000, v31;
	v32 =	vsel vm8, $0x44018000, v32  }
0x66: {  	v33 =	vsel vm8, $0x44058000, v33;
	v34 =	vsel vm8, $0x44098000, v34;
	v35 =	vsel vm8, $0x440D8000, v35  }
0x67: {  	v0 =	vsel vm6, $0x40E00000, v0;
	v1 =	vsel vm6, $0x41B80000, v1;
	v2 =	vsel vm6, $0x421C0000, v2  }
0x68: {  	v3 =	vsel vm6, $0x425C0000, v3;
	v4 =	vsel vm6, $0x428E0000, v4;
	v5 =	vsel vm6, $0x42AE0000, v5  }
0x69: {  	v6 =	vsel vm6, $0x42CE0000, v6;
	v7 =	vsel vm6, $0x42EE0000, v7;
	v8 =	vsel vm6, $0x43070000, v8  }
0x6a: {  	v9 =	vsel vm6, $0x43170000, v9;
	v10 =	vsel vm6, $0x43270000, v10;
	v11 =	vsel vm6, $0x43370000, v11  }
0x6b: {  	v12 =	vsel vm6, $0x43470000, v12;
	v13 =	vsel vm6, $0x43570000, v13;
	v14 =	vsel vm6, $0x43670000, v14  }
0x6c: {  	v15 =	vsel vm6, $0x43770000, v15;
	v16 =	vsel vm6, $0x43838000, v16;
	v17 =	vsel vm6, $0x438B8000, v17  }
0x6d: {  	v18 =	vsel vm6, $0x43938000, v18;
	v19 =	vsel vm6, $0x439B8000, v19;
	v20 =	vsel vm6, $0x43A38000, v20  }
0x6e: {  	v21 =	vsel vm6, $0x43AB8000, v21;
	v22 =	vsel vm6, $0x43B38000, v22;
	v23 =	vsel vm6, $0x43BB8000, v23  }
0x6f: {  	v24 =	vsel vm6, $0x43C38000, v24;
	v25 =	vsel vm6, $0x43CB8000, v25;
	v26 =	vsel vm6, $0x43D38000, v26  }
0x70: {  	v27 =	vsel vm6, $0x43DB8000, v27;
	v28 =	vsel vm6, $0x43E38000, v28;
	v29 =	vsel vm6, $0x43EB8000, v29  }
0x71: {  	v30 =	vsel vm6, $0x43F38000, v30;
	v31 =	vsel vm6, $0x43FB8000, v31;
	v32 =	vsel vm6, $0x4401C000, v32  }
0x72: {  	v33 =	vsel vm6, $0x4405C000, v33;
	v34 =	vsel vm6, $0x4409C000, v34;
	v35 =	vsel vm6, $0x440DC000, v35  }
0x73: {  	v0 =	vsel vm1, $0x41000000, v0;
	v1 =	vsel vm1, $0x41C00000, v1;
	v2 =	vsel vm1, $0x42200000, v2  }
0x74: {  	v3 =	vsel vm1, $0x42600000, v3;
	v4 =	vsel vm1, $0x42900000, v4;
	v5 =	vsel vm1, $0x42B00000, v5  }
0x75: {  	v6 =	vsel vm1, $0x42D00000, v6;
	v7 =	vsel vm1, $0x42F00000, v7;
	v8 =	vsel vm1, $0x43080000, v8  }
0x76: {  	v9 =	vsel vm1, $0x43180000, v9;
	v10 =	vsel vm1, $0x43280000, v10;
	v11 =	vsel vm1, $0x43380000, v11  }
0x77: {  	v12 =	vsel vm1, $0x43480000, v12;
	v13 =	vsel vm1, $0x43580000, v13;
	v14 =	vsel vm1, $0x43680000, v14  }
0x78: {  	v15 =	vsel vm1, $0x43780000, v15;
	v16 =	vsel vm1, $0x43840000, v16;
	v17 =	vsel vm1, $0x438C0000, v17  }
0x79: {  	v18 =	vsel vm1, $0x43940000, v18;
	v19 =	vsel vm1, $0x439C0000, v19;
	v20 =	vsel vm1, $0x43A40000, v20  }
0x7a: {  	v21 =	vsel vm1, $0x43AC0000, v21;
	v22 =	vsel vm1, $0x43B40000, v22;
	v23 =	vsel vm1, $0x43BC0000, v23  }
0x7b: {  	v24 =	vsel vm1, $0x43C40000, v24;
	v25 =	vsel vm1, $0x43CC0000, v25;
	v26 =	vsel vm1, $0x43D40000, v26  }
0x7c: {  	v27 =	vsel vm1, $0x43DC0000, v27;
	v28 =	vsel vm1, $0x43E40000, v28;
	v29 =	vsel vm1, $0x43EC0000, v29  }
0x7d: {  	v30 =	vsel vm1, $0x43F40000, v30;
	v31 =	vsel vm1, $0x43FC0000, v31;
	v32 =	vsel vm1, $0x44020000, v32  }
0x7e: {  	v33 =	vsel vm1, $0x44060000, v33;
	v34 =	vsel vm1, $0x440A0000, v34;
	v35 =	vsel vm1, $0x440E0000, v35  }
0x7f: {  	v0 =	vsel vm0, $0x41100000, v0;
	v1 =	vsel vm0, $0x41C80000, v1;
	v2 =	vsel vm0, $0x42240000, v2  }
0x80: {  	v3 =	vsel vm0, $0x42640000, v3;
	v4 =	vsel vm0, $0x42920000, v4;
	v5 =	vsel vm0, $0x42B20000, v5  }
0x81: {  	v6 =	vsel vm0, $0x42D20000, v6;
	v7 =	vsel vm0, $0x42F20000, v7;
	v8 =	vsel vm0, $0x43090000, v8  }
0x82: {  	v9 =	vsel vm0, $0x43190000, v9;
	v10 =	vsel vm0, $0x43290000, v10;
	v11 =	vsel vm0, $0x43390000, v11  }
0x83: {  	v12 =	vsel vm0, $0x43490000, v12;
	v13 =	vsel vm0, $0x43590000, v13;
	v14 =	vsel vm0, $0x43690000, v14  }
0x84: {  	v15 =	vsel vm0, $0x43790000, v15;
	v16 =	vsel vm0, $0x43848000, v16;
	v17 =	vsel vm0, $0x438C8000, v17  }
0x85: {  	v18 =	vsel vm0, $0x43948000, v18;
	v19 =	vsel vm0, $0x439C8000, v19;
	v20 =	vsel vm0, $0x43A48000, v20  }
0x86: {  	v21 =	vsel vm0, $0x43AC8000, v21;
	v22 =	vsel vm0, $0x43B48000, v22;
	v23 =	vsel vm0, $0x43BC8000, v23  }
0x87: {  	v24 =	vsel vm0, $0x43C48000, v24;
	v25 =	vsel vm0, $0x43CC8000, v25;
	v26 =	vsel vm0, $0x43D48000, v26  }
0x88: {  	v27 =	vsel vm0, $0x43DC8000, v27;
	v28 =	vsel vm0, $0x43E48000, v28;
	v29 =	vsel vm0, $0x43EC8000, v29  }
0x89: {  	v30 =	vsel vm0, $0x43F48000, v30;
	v31 =	vsel vm0, $0x43FC8000, v31;
	v32 =	vsel vm0, $0x44024000, v32  }
0x8a: {  	v33 =	vsel vm0, $0x44064000, v33;
	v34 =	vsel vm0, $0x440A4000, v34;
	v35 =	vsel vm0, $0x440E4000, v35  }
0x8b: {  	v0 =	vsel vm2, $0x41200000, v0;
	v1 =	vsel vm2, $0x41D00000, v1;
	v2 =	vsel vm2, $0x42280000, v2  }
0x8c: {  	v3 =	vsel vm2, $0x42680000, v3;
	v4 =	vsel vm2, $0x42940000, v4;
	v5 =	vsel vm2, $0x42B40000, v5  }
0x8d: {  	v6 =	vsel vm2, $0x42D40000, v6;
	v7 =	vsel vm2, $0x42F40000, v7;
	v8 =	vsel vm2, $0x430A0000, v8  }
0x8e: {  	v9 =	vsel vm2, $0x431A0000, v9;
	v10 =	vsel vm2, $0x432A0000, v10;
	v11 =	vsel vm2, $0x433A0000, v11  }
0x8f: {  	v12 =	vsel vm2, $0x434A0000, v12;
	v13 =	vsel vm2, $0x435A0000, v13;
	v14 =	vsel vm2, $0x436A0000, v14  }
0x90: {  	v15 =	vsel vm2, $0x437A0000, v15;
	v16 =	vsel vm2, $0x43850000, v16;
	v17 =	vsel vm2, $0x438D0000, v17  }
0x91: {  	v18 =	vsel vm2, $0x43950000, v18;
	v19 =	vsel vm2, $0x439D0000, v19;
	v20 =	vsel vm2, $0x43A50000, v20  }
0x92: {  	v21 =	vsel vm2, $0x43AD0000, v21;
	v22 =	vsel vm2, $0x43B50000, v22;
	v23 =	vsel vm2, $0x43BD0000, v23  }
0x93: {  	v24 =	vsel vm2, $0x43C50000, v24;
	v25 =	vsel vm2, $0x43CD0000, v25;
	v26 =	vsel vm2, $0x43D50000, v26  }
0x94: {  	v27 =	vsel vm2, $0x43DD0000, v27;
	v28 =	vsel vm2, $0x43E50000, v28;
	v29 =	vsel vm2, $0x43ED0000, v29  }
0x95: {  	v30 =	vsel vm2, $0x43F50000, v30;
	v31 =	vsel vm2, $0x43FD0000, v31;
	v32 =	vsel vm2, $0x44028000, v32  }
0x96: {  	v33 =	vsel vm2, $0x44068000, v33;
	v34 =	vsel vm2, $0x440A8000, v34;
	v35 =	vsel vm2, $0x440E8000, v35  }
0x97: {  	v0 =	vsel vm4, $0x41300000, v0;
	v1 =	vsel vm4, $0x41D80000, v1;
	v2 =	vsel vm4, $0x422C0000, v2  }
0x98: {  	v3 =	vsel vm4, $0x426C0000, v3;
	v4 =	vsel vm4, $0x42960000, v4;
	v5 =	vsel vm4, $0x42B60000, v5  }
0x99: {  	v6 =	vsel vm4, $0x42D60000, v6;
	v7 =	vsel vm4, $0x42F60000, v7;
	v8 =	vsel vm4, $0x430B0000, v8  }
0x9a: {  	v9 =	vsel vm4, $0x431B0000, v9;
	v10 =	vsel vm4, $0x432B0000, v10;
	v11 =	vsel vm4, $0x433B0000, v11  }
0x9b: {  	v12 =	vsel vm4, $0x434B0000, v12;
	v13 =	vsel vm4, $0x435B0000, v13;
	v14 =	vsel vm4, $0x436B0000, v14  }
0x9c: {  	v15 =	vsel vm4, $0x437B0000, v15;
	v16 =	vsel vm4, $0x43858000, v16;
	v17 =	vsel vm4, $0x438D8000, v17  }
0x9d: {  	v18 =	vsel vm4, $0x43958000, v18;
	v19 =	vsel vm4, $0x439D8000, v19;
	v20 =	vsel vm4, $0x43A58000, v20  }
0x9e: {  	v21 =	vsel vm4, $0x43AD8000, v21;
	v22 =	vsel vm4, $0x43B58000, v22;
	v23 =	vsel vm4, $0x43BD8000, v23  }
0x9f: {  	v24 =	vsel vm4, $0x43C58000, v24;
	v25 =	vsel vm4, $0x43CD8000, v25;
	v26 =	vsel vm4, $0x43D58000, v26  }
0xa0: {  	v27 =	vsel vm4, $0x43DD8000, v27;
	v28 =	vsel vm4, $0x43E58000, v28;
	v29 =	vsel vm4, $0x43ED8000, v29  }
0xa1: {  	v30 =	vsel vm4, $0x43F58000, v30;
	v31 =	vsel vm4, $0x43FD8000, v31;
	v32 =	vsel vm4, $0x4402C000, v32  }
0xa2: {  	v33 =	vsel vm4, $0x4406C000, v33;
	v34 =	vsel vm4, $0x440AC000, v34;
	v35 =	vsel vm4, $0x440EC000, v35  }
0xa3: {  	v0 =	vsel vm5, $0x41400000, v0;
	v1 =	vsel vm5, $0x41E00000, v1;
	v2 =	vsel vm5, $0x42300000, v2  }
0xa4: {  	v3 =	vsel vm5, $0x42700000, v3;
	v4 =	vsel vm5, $0x42980000, v4;
	v5 =	vsel vm5, $0x42B80000, v5  }
0xa5: {  	v6 =	vsel vm5, $0x42D80000, v6;
	v7 =	vsel vm5, $0x42F80000, v7;
	v8 =	vsel vm5, $0x430C0000, v8  }
0xa6: {  	v9 =	vsel vm5, $0x431C0000, v9;
	v10 =	vsel vm5, $0x432C0000, v10;
	v11 =	vsel vm5, $0x433C0000, v11  }
0xa7: {  	v12 =	vsel vm5, $0x434C0000, v12;
	v13 =	vsel vm5, $0x435C0000, v13;
	v14 =	vsel vm5, $0x436C0000, v14  }
0xa8: {  	v15 =	vsel vm5, $0x437C0000, v15;
	v16 =	vsel vm5, $0x43860000, v16;
	v17 =	vsel vm5, $0x438E0000, v17  }
0xa9: {  	v18 =	vsel vm5, $0x43960000, v18;
	v19 =	vsel vm5, $0x439E0000, v19;
	v20 =	vsel vm5, $0x43A60000, v20  }
0xaa: {  	v21 =	vsel vm5, $0x43AE0000, v21;
	v22 =	vsel vm5, $0x43B60000, v22;
	v23 =	vsel vm5, $0x43BE0000, v23  }
0xab: {  	v24 =	vsel vm5, $0x43C60000, v24;
	v25 =	vsel vm5, $0x43CE0000, v25;
	v26 =	vsel vm5, $0x43D60000, v26  }
0xac: {  	v27 =	vsel vm5, $0x43DE0000, v27;
	v28 =	vsel vm5, $0x43E60000, v28;
	v29 =	vsel vm5, $0x43EE0000, v29  }
0xad: {  	v30 =	vsel vm5, $0x43F60000, v30;
	v31 =	vsel vm5, $0x43FE0000, v31;
	v32 =	vsel vm5, $0x44030000, v32  }
0xae: {  	v33 =	vsel vm5, $0x44070000, v33;
	v34 =	vsel vm5, $0x440B0000, v34;
	v35 =	vsel vm5, $0x440F0000, v35  }
0xaf: {  	v0 =	vsel vm3, $0x41500000, v0;
	v1 =	vsel vm3, $0x41E80000, v1;
	v2 =	vsel vm3, $0x42340000, v2  }
0xb0: {  	v3 =	vsel vm3, $0x42740000, v3;
	v4 =	vsel vm3, $0x429A0000, v4;
	v5 =	vsel vm3, $0x42BA0000, v5  }
0xb1: {  	v6 =	vsel vm3, $0x42DA0000, v6;
	v7 =	vsel vm3, $0x42FA0000, v7;
	v8 =	vsel vm3, $0x430D0000, v8  }
0xb2: {  	v9 =	vsel vm3, $0x431D0000, v9;
	v10 =	vsel vm3, $0x432D0000, v10;
	v11 =	vsel vm3, $0x433D0000, v11  }
0xb3: {  	v12 =	vsel vm3, $0x434D0000, v12;
	v13 =	vsel vm3, $0x435D0000, v13;
	v14 =	vsel vm3, $0x436D0000, v14  }
0xb4: {  	v15 =	vsel vm3, $0x437D0000, v15;
	v16 =	vsel vm3, $0x43868000, v16;
	v17 =	vsel vm3, $0x438E8000, v17  }
0xb5: {  	v18 =	vsel vm3, $0x43968000, v18;
	v19 =	vsel vm3, $0x439E8000, v19;
	v20 =	vsel vm3, $0x43A68000, v20  }
0xb6: {  	v21 =	vsel vm3, $0x43AE8000, v21;
	v22 =	vsel vm3, $0x43B68000, v22;
	v23 =	vsel vm3, $0x43BE8000, v23  }
0xb7: {  	v24 =	vsel vm3, $0x43C68000, v24;
	v25 =	vsel vm3, $0x43CE8000, v25;
	v26 =	vsel vm3, $0x43D68000, v26  }
0xb8: {  	v27 =	vsel vm3, $0x43DE8000, v27;
	v28 =	vsel vm3, $0x43E68000, v28;
	v29 =	vsel vm3, $0x43EE8000, v29  }
0xb9: {  	v30 =	vsel vm3, $0x43F68000, v30;
	v31 =	vsel vm3, $0x43FE8000, v31;
	v32 =	vsel vm3, $0x44034000, v32  }
0xba: {  	v33 =	vsel vm3, $0x44074000, v33;
	v34 =	vsel vm3, $0x440B4000, v34;
	v35 =	vsel vm3, $0x440F4000, v35  }
0xbb: {  	v0 =	vsel vm7, $0x41600000, v0;
	v1 =	vsel vm7, $0x41F00000, v1;
	v2 =	vsel vm7, $0x42380000, v2  }
0xbc: {  	v3 =	vsel vm7, $0x42780000, v3;
	v4 =	vsel vm7, $0x429C0000, v4;
	v5 =	vsel vm7, $0x42BC0000, v5  }
0xbd: {  	v6 =	vsel vm7, $0x42DC0000, v6;
	v7 =	vsel vm7, $0x42FC0000, v7;
	v8 =	vsel vm7, $0x430E0000, v8  }
0xbe: {  	s1 =	srdreg.scid;
	s0 =	stileid.u32;
	v9 =	vsel vm7, $0x431E0000, v9;
	v10 =	vsel vm7, $0x432E0000, v10;
	v11 =	vsel vm7, $0x433E0000, v11  }
0xbf: {  	s3 =	rddreg [dreg:$0x0];
	s4 =	sand.u32 $0x1, s1;
	s30 =	sshll.u32 s0, $0x1;
	v12 =	vsel vm7, $0x434E0000, v12;
	v13 =	vsel vm7, $0x435E0000, v13;
	v14 =	vsel vm7, $0x436E0000, v14  }
0xc0: {  	s5 =	rddreg [dreg:$0x1];
	s2 =	simm.s32 $0x0;
	s6 =	sor.u32 s4, s30;
	v15 =	vsel vm7, $0x437E0000, v15;
	v16 =	vsel vm7, $0x43870000, v16;
	v17 =	vsel vm7, $0x438F0000, v17  }
0xc1: {  	s10 =	simm.s32 $0x0;
	s4 =	ssub.s32 $0x2, s4;
	s7 =	smul.u32 $0x2880, s6;
	v18 =	vsel vm7, $0x43970000, v18;
	v19 =	vsel vm7, $0x439F0000, v19;
	v20 =	vsel vm7, $0x43A70000, v20  }
0xc2: {  	[smem:$0x7FF] =	sst s2;
	s6 =	smul.u32 $0x120, s6;
	s31 =	sshrl.u32 s4, $0x1;
	v21 =	vsel vm7, $0x43AF0000, v21;
	v22 =	vsel vm7, $0x43B70000, v22;
	v23 =	vsel vm7, $0x43BF0000, v23  }
0xc3: {  	s1 =	rddreg [dreg:$0x2];
	_ =	strace $0x80000047;
	s9 =	ssub.s32 s4, s31;
	v24 =	vsel vm7, $0x43C70000, v24;
	v25 =	vsel vm7, $0x43CF0000, v25;
	v26 =	vsel vm7, $0x43D70000, v26  }
0xc4: {  	s7 =	sadd.s32 s7, s3;
	s8 =	sadd.s32 s6, s3;
	s4 =	sadd.s32 s5, s6;
	v27 =	vsel vm7, $0x43DF0000, v27;
	v28 =	vsel vm7, $0x43E70000, v28;
	v29 =	vsel vm7, $0x43EF0000, v29  }
0xc5: {  	s6 =	smax.u32 s9, $0x1;
	s9 =	simm.s32 $0x14D00;
	s3 =	sadd.s32 $0x5C400, s7;
	v30 =	vsel vm7, $0x43F70000, v30;
	v31 =	vsel vm7, $0x43FF0000, v31;
	v35 =	vsel vm7, $0x440F8000, v35  }
0xc6: {  	s5 =	sadd.s32 $0xAD400, s8;
	s7 =	simm.s32 $0x1;
	s8 =	simm.s32 $0x14400;
	v32 =	vsel vm7, $0x44038000, v32;
	v33 =	vsel vm7, $0x44078000, v33;
	v34 =	vsel vm7, $0x440B8000, v34;
	[tilespmem:$0x1FFF0] =	vst v35  }
.LBB2_1:
0xc7: {  	[tilespmem:s2], [sflag:$0x1] =	stream.linear.gather [hbm4b:s3+s2], $0x14400, $0x38;
	[tilespmem:$0x15600] =	vst v63  }
0xc8: {  	_ =	swait.ge [sflag:s7], $0x14400  }
0xc9: {  	[sflag:s7] =	ssyncset.done $0x0  }
0xca: {  	s11 =	simm.s32 $0x120;
	[sflag:s7] =	ssyncadd.s32 $0xFFFEBC00  }
0xcb: {  	v37 =	vld [tilespmem:s11+$0x20]  }
0xcc: {  	v38 =	vld [tilespmem:s11+$0x30];
	_ =	sdelay $0x1  }
0xcd: {  	v39 =	vld [tilespmem:s11+$0xC0]  }
0xce: {  	v40 =	vld [tilespmem:s11+$0xA0]  }
0xcf: {  	v41 =	vld [tilespmem:s11+$0xB0];
	(xrf1) =	vsort.ascd.msk.f32 $0xffff, v37, v20  }
0xd0: {  	v42 =	vld [tilespmem:s11+$0x80];
	(xrf1) =	vsort.ascd.msk.f32 $0xffff, v38, v21  }
0xd1: {  	v46 =	vld [tilespmem:s11+$0x90]  }
0xd2: {  	v47 =	vld [tilespmem:s11+$0xD0];
	(xrf1) =	vsort.ascd.msk.f32 $0xffff, v39, v30  }
0xd3: {  	v48 =	vld [tilespmem:s11+$0x50];
	(xrf1) =	vsort.ascd.msk.f32 $0xffff, v40, v28  }
0xd4: {  	v49 =	vld [tilespmem:s11+$0xFFFFFFD0];
	(xrf1) =	vsort.ascd.msk.f32 $0xffff, v41, v29  }
0xd5: {  	v50 =	vld [tilespmem:s11+$0x70];
	(xrf1) =	vsort.ascd.msk.f32 $0xffff, v42, v26  }
0xd6: {  	v51 =	vld [tilespmem:s11+$0x40];
	(xrf1) =	vsort.ascd.msk.f32 $0xffff, v46, v27  }
0xd7: {  	v52 =	vld [tilespmem:s11+$0xFFFFFFC0];
	(xrf1) =	vsort.ascd.msk.f32 $0xffff, v47, v31  }
0xd8: {  	v53 =	vld [tilespmem:s11+$0xFFFFFFB0];
	(xrf1) =	vsort.ascd.msk.f32 $0xffff, v48, v23  }
0xd9: {  	s12 =	sand.u32 $0x3FFC0, s2;
	v54 =	vld [tilespmem:s11+$0x10];
	(xrf1) =	vsort.ascd.msk.f32 $0xffff, v49, v15  }
0xda: {  	v55 =	vld [tilespmem:s12+$0x180];
	(xrf1) =	vsort.ascd.msk.f32 $0xffff, v50, v25  }
0xdb: {  	v56 =	vld [tilespmem:s11+$0xFFFFFFA0];
	(xrf1) =	vsort.ascd.msk.f32 $0xffff, v51, v22  }
0xdc: {  	v57 =	vld [tilespmem:s12+$0x100];
	(xrf1) =	vsort.ascd.msk.f32 $0xffff, v52, v14  }
0xdd: {  	v58 =	vld [tilespmem:s11+$0xFFFFFFF0];
	(xrf1) =	vsort.ascd.msk.f32 $0xffff, v53, v13;
	v60, v43, _ =	vpop (xrf1)  }
0xde: {  	v59 =	vld [tilespmem:s11+$0xFFFFFF90];
	(xrf1) =	vsort.ascd.msk.f32 $0xffff, v54, v19;
	v45, v46, _ =	vpop (xrf1)  }
0xdf: {  	v44 =	vld [tilespmem:s11+$0x0];
	(xrf1) =	vsort.ascd.msk.f32 $0xffff, v55, v24;
	v45 =	vperm.xlane v45, v36  }
0xe0: {  	v61 =	vld [tilespmem:s11+$0xFFFFFF80];
	(xrf1) =	vsort.ascd.msk.f32 $0xffff, v56, v12;
	v41, v47, _ =	vpop (xrf1)  }
0xe1: {  	(xrf1) =	vsort.ascd.msk.f32 $0xffff, v57, v16;
	v42, v48, _ =	vpop (xrf1)  }
0xe2: {  	v49 =	vld [tilespmem:s11+$0xFFFFFF50];
	(xrf1) =	vsort.ascd.msk.f32 $0xffff, v58, v17;
	v62, v50, _ =	vpop (xrf1)  }
0xe3: {  	v51 =	vld [tilespmem:s11+$0xFFFFFF70];
	v46 =	vperm.xlane v46, v36;
	vm0 =	vle.f32 v60, v45;
	(xrf1) =	vsort.ascd.msk.f32 $0xffff, v59, v11;
	v38, v52, _ =	vpop (xrf1)  }
0xe4: {  	v53 =	vld [tilespmem:s11+$0xFFFFFF40];
	v39 =	vsel vm0, v60, v45;
	v37 =	vperm.xlane v62, v36;
	(xrf1) =	vsort.ascd.msk.f32 $0xffff, v44, v18;
	v63, v45, _ =	vpop (xrf1)  }
0xe5: {  	v54 =	vld [tilespmem:s11+$0xFFFFFF30];
	v43 =	vsel vm0, v43, v46;
	(xrf1) =	vsort.ascd.msk.f32 $0xffff, v61, v10;
	v61, v60, _ =	vpop (xrf1)  }
0xe6: {  	v55 =	vld [tilespmem:s12+$0x80];
	v50 =	vperm.xlane v50, v36;
	vm8 =	vle.f32 v42, v37;
	(xrf1) =	vsort.ascd.msk.f32 $0xffff, v39, v43;
	v56, v57, _ =	vpop (xrf1)  }
0xe7: {  	v39 =	vperm.xlane v63, v36;
	(xrf1) =	vsort.ascd.msk.f32 $0xffff, v49, v7;
	v49 =	vld [tilespmem:s11+$0xFFFFFF20];
	v46 =	vperm.xlane v60, v36;
	v62, v44, _ =	vpop (xrf1)  }
0xe8: {  	v45 =	vperm.xlane v45, v36;
	v40 =	vperm.xlane v61, v36;
	(xrf1) =	vsort.ascd.msk.f32 $0xffff, v51, v9;
	v51, v58, _ =	vpop (xrf1)  }
0xe9: {  	v37 =	vsel vm8, v42, v37;
	v56 =	vperm.xlane v56, v36;
	(xrf1) =	vsort.ascd.msk.f32 $0xffff, v53, v6;
	v53, v59, _ =	vpop (xrf1)  }
0xea: {  	v57 =	vperm.xlane v57, v36;
	vm1 =	vle.f32 v41, v40;
	(xrf1) =	vsort.ascd.msk.f32 $0xffff, v54, v5;
	v60, v61, _ =	vpop (xrf1)  }
0xeb: {  	v40 =	vsel vm1, v41, v40;
	v41 =	vsel vm1, v47, v46;
	(xrf1) =	vsort.ascd.msk.f32 $0xffff, v55, v8;
	v46, v47, _ =	vpop (xrf1)  }
0xec: {  	v48 =	vsel vm8, v48, v50;
	vm3 =	vle.f32 v38, v39;
	(xrf1) =	vsort.ascd.msk.f32 $0xffff, v49, v4;
	v54, v55, _ =	vpop (xrf1)  }
0xed: {  	v43 =	vperm.xlane v62, v36;
	v44 =	vperm.xlane v44, v36;
	vm9 =	vle.f32 v53, v56;
	v42, v49, _ =	vpop (xrf1)  }
0xee: {  	v38 =	vsel vm3, v38, v39;
	v45 =	vsel vm3, v52, v45;
	v52 =	vsel vm9, v53, v56;
	v39, v62, _ =	vpop (xrf1)  }
0xef: {  	vm2 =	vle.f32 v60, v43;
	v53 =	vld [tilespmem:s11+$0xFFFFFF10];
	v63 =	vsel vm9, v59, v57;
	v46 =	vperm.xlane v46, v36;
	v50, v56, _ =	vpop (xrf1)  }
0xf0: {  	v44 =	vsel vm2, v61, v44;
	(xrf1) =	vsort.ascd.msk.f32 $0xffff, v38, v45;
	v38 =	vperm.xlane v51, v36;
	v51, v57, _ =	vpop (xrf1)  }
0xf1: {  	v54 =	vperm.xlane v54, v36;
	(xrf1) =	vsort.ascd.msk.f32 $0xffff, v37, v48;
	v37 =	vsel vm2, v60, v43;
	v43 =	vld [tilespmem:s11+$0xFFFFFF00];
	v48, v59, _ =	vpop (xrf1)  }
0xf2: {  	v60 =	vld [tilespmem:s11+$0xFFFFFEF0];
	(xrf1) =	vsort.ascd.msk.f32 $0xffff, v52, v63;
	vm10 =	vle.f32 v42, v38;
	vm11 =	vle.f32 v39, v46;
	v45, v52, _ =	vpop (xrf1)  }
0xf3: {  	v61 =	vld [tilespmem:s11+$0xFFFFFEE0];
	(xrf1) =	vsort.ascd.msk.f32 $0xffff, v40, v41;
	v40 =	vperm.xlane v55, v36;
	v41 =	vperm.xlane v58, v36;
	v55, v58, _ =	vpop (xrf1)  }
0xf4: {  	v38 =	vsel vm10, v42, v38;
	(xrf1) =	vsort.ascd.msk.f32 $0xffff, v53, v3;
	v48 =	vperm.xlane v48, v36;
	v53, v63, _ =	vpop (xrf1)  }
0xf5: {  	v39 =	vsel vm11, v39, v46;
	v41 =	vsel vm10, v49, v41;
	vm13 =	vle.f32 v45, v54;
	v42, v46, _ =	vpop (xrf1)  }
0xf6: {  	(xrf1) =	vsort.ascd.msk.f32 $0xffff, v43, v2;
	vm12 =	vle.f32 v55, v48;
	v45 =	vsel vm13, v45, v54;
	v43, v49, _ =	vpop (xrf1)  }
0xf7: {  	(xrf1) =	vsort.ascd.msk.f32 $0xffff, v60, v1;
	v40 =	vsel vm13, v52, v40;
	v48 =	vsel vm12, v55, v48;
	v52, v55, _ =	vpop (xrf1)  }
0xf8: {  	v47 =	vperm.xlane v47, v36;
	(xrf1) =	vsort.ascd.msk.f32 $0xffff, v61, v0;
	v54, v60, _ =	vpop (xrf1)  }
0xf9: {  	v51 =	vperm.xlane v51, v36;
	(xrf1) =	vsort.ascd.msk.f32 $0xffff, v38, v41;
	v54 =	vperm.xlane v54, v36;
	v38, v41, _ =	vpop (xrf1)  }
0xfa: {  	v42 =	vperm.xlane v42, v36;
	(xrf1) =	vsort.ascd.msk.f32 $0xffff, v45, v40;
	v60 =	vperm.xlane v60, v36;
	v40, v45, _ =	vpop (xrf1)  }
0xfb: {  	vm14 =	vle.f32 v50, v51;
	v46 =	vperm.xlane v46, v36;
	vm4 =	vle.f32 v40, v54  }
0xfc: {  	vm15 =	vle.f32 v52, v42;
	v45 =	vsel vm4, v45, v60;
	v60 =	vperm.xlane v57, v36  }
0xfd: {  	v50 =	vsel vm14, v50, v51;
	v46 =	vsel vm15, v55, v46;
	v40 =	vsel vm4, v40, v54  }
0xfe: {  	v43 =	vperm.xlane v43, v36;
	v42 =	vsel vm15, v52, v42;
	v51 =	vsel vm14, v56, v60  }
0xff: {  	v49 =	vperm.xlane v49, v36;
	(xrf1) =	vsort.ascd.msk.f32 $0xffff, v37, v44;
	v37, v44, _ =	vpop (xrf1)  }
0x100: {  	v47 =	vsel vm11, v62, v47;
	vm7 =	vle.f32 v38, v43;
	(xrf1) =	vsort.ascd.msk.f32 $0xffff, v40, v45;
	v40, v45, _ =	vpop (xrf1)  }
0x101: {  	v61 =	vperm.xlane v59, v36;
	v41 =	vsel vm7, v41, v49;
	(xrf1) =	vsort.ascd.msk.f32 $0xffff, v42, v46;
	v42, v46, _ =	vpop (xrf1)  }
0x102: {  	v38 =	vsel vm7, v38, v43;
	(xrf1) =	vsort.ascd.msk.f32 $0xffff, v50, v51;
	v50, v51, _ =	vpop (xrf1)  }
0x103: {  	v52 =	vsel vm12, v58, v61;
	(xrf1) =	vsort.ascd.msk.f32 $0xffff, v39, v47;
	v47, v62, _ =	vpop (xrf1)  }
0x104: {  	(xrf1) =	vsort.ascd.msk.f32 $0xffff, v48, v52;
	v56, v55, _ =	vpop (xrf1)  }
0x105: {  	v50 =	vperm.xlane v50, v36;
	v39 =	vperm.xlane v47, v36;
	(xrf1) =	vsort.ascd.msk.f32 $0xffff, v38, v41;
	v38, v41, _ =	vpop (xrf1)  }
0x106: {  	v54 =	vperm.xlane v51, v36;
	v38 =	vperm.xlane v38, v36  }
0x107: {  	v43 =	vperm.xlane v62, v36;
	vm8 =	vle.f32 v40, v50;
	vm9 =	vle.f32 v56, v39;
	v58, v57, _ =	vpop (xrf1)  }
0x108: {  	v40 =	vsel vm8, v40, v50;
	v39 =	vsel vm9, v56, v39;
	vm10 =	vle.f32 v58, v38  }
0x109: {  	v45 =	vsel vm8, v45, v54;
	v41 =	vperm.xlane v41, v36;
	v38 =	vsel vm10, v58, v38  }
0x10a: {  	v37 =	vperm.xlane v37, v36;
	v43 =	vsel vm9, v55, v43;
	(xrf1) =	vsort.ascd.msk.f32 $0xffff, v40, v45  }
0x10b: {  	v60, v61, _ =	vpop (xrf1);
	(xrf1) =	vsort.ascd.msk.f32 $0xffff, v39, v43;
	v59 =	vsel vm10, v57, v41  }
0x10c: {  	vm11 =	vle.f32 v60, v37;
	(xrf1) =	vsort.ascd.msk.f32 $0xffff, v38, v59;
	v38, v39, _ =	vpop (xrf1)  }
0x10d: {  	v62 =	vperm.xlane v44, v36;
	v37 =	vsel vm11, v60, v37;
	v52, v45, _ =	vpop (xrf1)  }
0x10e: {  	v54, v55, _ =	vpop (xrf1)  }
0x10f: {  	v42 =	vperm.xlane v42, v36;
	v56 =	vsel vm11, v61, v62;
	v38 =	vperm.xlane v38, v36;
	v41, v43, _ =	vpop (xrf1)  }
0x110: {  	v57 =	vperm.xlane v39, v36;
	(xrf1) =	vsort.ascd.msk.f32 $0xffff, v37, v56;
	v37, v40, _ =	vpop (xrf1)  }
0x111: {  	v46 =	vperm.xlane v46, v36;
	vm12 =	vle.f32 v53, v42;
	vm13 =	vle.f32 v37, v38  }
0x112: {  	v41 =	vperm.xlane v41, v36;
	v37 =	vsel vm13, v37, v38;
	v38 =	vsel vm13, v40, v57  }
0x113: {  	v42 =	vsel vm12, v53, v42;
	v46 =	vsel vm12, v63, v46;
	v43 =	vperm.xlane v43, v36;
	v60, v59, _ =	vpop (xrf1)  }
0x114: {  	v45 =	vperm.xlane v45, v36;
	(xrf1) =	vsort.ascd.msk.f32 $0xffff, v42, v46;
	vm14 =	vle.f32 v54, v41;
	v63, v62, _ =	vpop (xrf1)  }
0x115: {  	v61 =	vsel vm14, v54, v41;
	v41 =	vperm.xlane v63, v36;
	v43 =	vsel vm14, v55, v43  }
0x116: {  	(xrf1) =	vsort.ascd.msk.f32 $0xffff, v37, v38;
	v46 =	vperm.xlane v62, v36;
	v37, v38, _ =	vpop (xrf1)  }
0x117: {  	v58 =	vperm.xlane v52, v36;
	vm4 =	vle.f32 v37, v41  }
0x118: {  	v38 =	vsel vm4, v38, v46  }
0x119: {  	vm15 =	vle.f32 v60, v58;
	(xrf1) =	vsort.ascd.msk.f32 $0xffff, v61, v43;
	v40, v43, _ =	vpop (xrf1);
	v37 =	vsel vm4, v37, v41  }
0x11a: {  	v39 =	vsel vm15, v60, v58;
	v49 =	vsel vm15, v59, v45;
	v44, v45, _ =	vpop (xrf1)  }
0x11b: {  	(xrf1) =	vsort.ascd.msk.f32 $0xffff, v39, v49;
	v50 =	vperm.xlane v44, v36  }
0x11c: {  	v51 =	vperm.xlane v45, v36;
	(xrf1) =	vsort.ascd.msk.f32 $0xffff, v37, v38;
	v37, v38, _ =	vpop (xrf1)  }
0x11d: {  	vm5 =	vle.f32 v37, v50  }
0x11e: {  	v37 =	vsel vm5, v37, v50;
	v38 =	vsel vm5, v38, v51  }
0x11f: {  	(xrf1) =	vsort.ascd.msk.f32 $0xffff, v37, v38;
	_ =	sdelay $0x2  }
0x120: {  	v54, v53, _ =	vpop (xrf1)  }
0x121: {  	v52 =	vperm.xlane v40, v36;
	v57, v56, _ =	vpop (xrf1)  }
0x122: {  	v41 =	vperm.xlane v57, v36  }
0x123: {  	v55 =	vperm.xlane v43, v36;
	vm6 =	vle.f32 v54, v52;
	v59, v58, _ =	vpop (xrf1)  }
0x124: {  	v60 =	vld [tilespmem:s11+$0x110];
	v37 =	vsel vm6, v54, v52;
	v62 =	vperm.xlane v56, v36;
	vm7 =	vle.f32 v59, v41  }
0x125: {  	v49 =	vld [tilespmem:s11+$0x100];
	v61 =	vsel vm6, v53, v55;
	v41 =	vsel vm7, v59, v41  }
0x126: {  	v50 =	vld [tilespmem:s11+$0xF0];
	(xrf1) =	vsort.ascd.msk.f32 $0xffff, v37, v61;
	v63, v48, _ =	vpop (xrf1);
	v39 =	vsel vm7, v58, v62  }
0x127: {  	v37, v38, _ =	vpop (xrf1)  }
0x128: {  	v51 =	vld [tilespmem:s12+$0x200];
	(xrf1) =	vsort.ascd.msk.f32 $0xffff, v41, v39;
	v37 =	vperm.xlane v37, v36  }
0x129: {  	v52 =	vperm.xlane v63, v36;
	(xrf1) =	vsort.ascd.msk.f32 $0xffff, v60, v35;
	v38 =	vperm.xlane v38, v36;
	v39, v41, _ =	vpop (xrf1)  }
0x12a: {  	v53 =	vperm.xlane v48, v36;
	(xrf1) =	vsort.ascd.msk.f32 $0xffff, v49, v34;
	vm8 =	vle.f32 v39, v37  }
0x12b: {  	(xrf1) =	vsort.ascd.msk.f32 $0xffff, v50, v33;
	v37 =	vsel vm8, v39, v37;
	v38 =	vsel vm8, v41, v38;
	v55, v54, _ =	vpop (xrf1)  }
0x12c: {  	(xrf1) =	vsort.ascd.msk.f32 $0xffff, v37, v38;
	vm9 =	vle.f32 v55, v52  }
0x12d: {  	(xrf1) =	vsort.ascd.msk.f32 $0xffff, v51, v32;
	v56 =	vsel vm9, v55, v52;
	v57 =	vsel vm9, v54, v53  }
0x12e: {  	(xrf1) =	vsort.ascd.msk.f32 $0xffff, v56, v57;
	_ =	sdelay $0x5  }
0x12f: {  	v37, v38, _ =	vpop (xrf1)  }
0x130: {  	v37 =	vperm.xlane v37, v36  }
0x131: {  	v38 =	vperm.xlane v38, v36;
	v58, v59, _ =	vpop (xrf1)  }
0x132: {  	vm10 =	vle.f32 v58, v37;
	v60, v61, _ =	vpop (xrf1)  }
0x133: {  	v37 =	vsel vm10, v58, v37;
	v38 =	vsel vm10, v59, v38;
	v62 =	vperm.xlane v60, v36;
	v63, v35, _ =	vpop (xrf1)  }
0x134: {  	v48 =	vperm.xlane v61, v36;
	(xrf1) =	vsort.ascd.msk.f32 $0xffff, v37, v38;
	v49, v50, _ =	vpop (xrf1)  }
0x135: {  	v38 =	vperm.xlane v49, v36;
	vm11 =	vle.f32 v63, v62;
	v42 =	vperm.xlane v50, v36;
	v52, v51, _ =	vpop (xrf1)  }
0x136: {  	v39 =	vsel vm11, v63, v62;
	v37 =	vsel vm11, v35, v48;
	v53, v54, _ =	vpop (xrf1);
	v43 =	vperm.xlane v52, v36  }
0x137: {  	(xrf1) =	vsort.ascd.msk.f32 $0xffff, v39, v37;
	v55 =	vperm.xlane v51, v36;
	vm12 =	vle.f32 v53, v38;
	v56, v57, _ =	vpop (xrf1)  }
0x138: {  	v38 =	vsel vm12, v53, v38;
	v58 =	vsel vm12, v54, v42;
	vm13 =	vle.f32 v56, v43  }
0x139: {  	(xrf1) =	vsort.ascd.msk.f32 $0xffff, v38, v58;
	v59 =	vsel vm13, v56, v43;
	v37 =	vsel vm13, v57, v55  }
0x13a: {  	(xrf1) =	vsort.ascd.msk.f32 $0xffff, v59, v37;
	_ =	sdelay $0x5  }
0x13b: {  	v35 =	vmov v34;
	v34 =	vmov v33  }
0x13c: {  	v33 =	vmovc v32;
	v32 =	vmovc v31;
	v31 =	vmov v30;
	v30 =	vmov v29;
	v29 =	vmov v28  }
0x13d: {  	v28 =	vmovc v27;
	v27 =	vmovc v26;
	v26 =	vmov v25;
	v25 =	vmov v24;
	v24 =	vmov v23  }
0x13e: {  	v23 =	vmovc v22;
	v22 =	vmovc v21;
	v21 =	vmov v20;
	v20 =	vmov v19;
	v19 =	vmov v18  }
0x13f: {  	v18 =	vmov v17;
	v17 =	vmov v16;
	v16 =	vmov v15;
	v37, v38, _ =	vpop (xrf1)  }
0x140: {  	v15 =	vmov v14;
	v14 =	vmov v13;
	v13 =	vmov v12;
	v61, v60, _ =	vpop (xrf1)  }
0x141: {  	v12 =	vmovc v11;
	v11 =	vmovc v10;
	v10 =	vmov v9;
	v9 =	vmov v8;
	v39 =	vperm.xlane v61, v36  }
0x142: {  	v8 =	vmov v7;
	v37 =	vperm.xlane v37, v36;
	v40 =	vperm.xlane v60, v36;
	v41, v42, _ =	vpop (xrf1)  }
0x143: {  	v7 =	vmov v6;
	v38 =	vperm.xlane v38, v36;
	vm14 =	vle.f32 v41, v39;
	v62, v63, _ =	vpop (xrf1)  }
0x144: {  	v6 =	vmovc v5;
	v39 =	vsel vm14, v41, v39;
	v40 =	vsel vm14, v42, v40;
	vm15 =	vle.f32 v62, v37  }
0x145: {  	s14 =	simm.s32 $0x240;
	s15 =	simm.s32 $0x14400;
	v5 =	vmovc v4;
	(xrf1) =	vsort.ascd.msk.f32 $0xffff, v39, v40;
	v37 =	vsel vm15, v62, v37;
	v38 =	vsel vm15, v63, v38  }
0x146: {  	s16 =	simm.s32 $0x14D00;
	s13 =	simm.s32 $0x14D00;
	s12 =	simm.s32 $0x14400;
	v4 =	vmovc v3;
	v3 =	vmov v2;
	v2 =	vmov v1;
	v1 =	vmov v0;
	(xrf1) =	vsort.ascd.msk.f32 $0xffff, v37, v38  }
.LBB2_2:
0x147: {  	_ =	sdelay $0xb  }
0x148: {  	v37, v38, _ =	vpop (xrf1)  }
0x149: {  	v37 =	vperm.xlane v37, v36  }
0x14a: {  	v38 =	vperm.xlane v38, v36;
	v39, v40, _ =	vpop (xrf1)  }
0x14b: {  	vm0 =	vle.f32 v39, v37  }
0x14c: {  	v37 =	vsel vm0, v39, v37;
	v38 =	vsel vm0, v40, v38  }
0x14d: {  	(xrf1) =	vsort.ascd.msk.f32 $0xffff, v37, v38;
	_ =	sdelay $0xd  }
0x14e: {  	v37, v38, _ =	vpop (xrf1)  }
0x14f: {  	[tilespmem:s12+$0x0] =	vst v37  }
0x150: {  	s11 =	sadd.s32 $0x240, s11;
	[tilespmem:s13+$0x0] =	vst v38  }
0x151: {  	v37 =	vld [tilespmem:s11+$0x20]  }
0x152: {  	v38 =	vld [tilespmem:s11+$0x30]  }
0x153: {  	v45 =	vld [tilespmem:s11+$0xC0]  }
0x154: {  	v46 =	vld [tilespmem:s11+$0xA0]  }
0x155: {  	v41 =	vld [tilespmem:s11+$0xB0]  }
0x156: {  	v42 =	vld [tilespmem:s11+$0x80];
	(xrf1) =	vsort.ascd.msk.f32 $0xffff, v37, v21  }
0x157: {  	v47 =	vld [tilespmem:s11+$0x90];
	(xrf1) =	vsort.ascd.msk.f32 $0xffff, v38, v22  }
0x158: {  	v48 =	vld [tilespmem:s11+$0xD0];
	(xrf1) =	vsort.ascd.msk.f32 $0xffff, v45, v31  }
0x159: {  	v49 =	vld [tilespmem:s11+$0x50];
	(xrf1) =	vsort.ascd.msk.f32 $0xffff, v46, v29  }
0x15a: {  	v50 =	vld [tilespmem:s11+$0xFFFFFFD0];
	(xrf1) =	vsort.ascd.msk.f32 $0xffff, v41, v30  }
0x15b: {  	v51 =	vld [tilespmem:s11+$0x70];
	(xrf1) =	vsort.ascd.msk.f32 $0xffff, v42, v27  }
0x15c: {  	v52 =	vld [tilespmem:s11+$0x40];
	(xrf1) =	vsort.ascd.msk.f32 $0xffff, v47, v28  }
0x15d: {  	v53 =	vld [tilespmem:s11+$0xFFFFFFC0];
	(xrf1) =	vsort.ascd.msk.f32 $0xffff, v48, v32  }
0x15e: {  	s17 =	smov.u32 s14;
	v54 =	vld [tilespmem:s11+$0xFFFFFFB0];
	(xrf1) =	vsort.ascd.msk.f32 $0xffff, v49, v24  }
0x15f: {  	s17 =	sand.u32 $0x3FFC0, s17;
	v55 =	vld [tilespmem:s11+$0x10];
	(xrf1) =	vsort.ascd.msk.f32 $0xffff, v50, v16  }
0x160: {  	v56 =	vld [tilespmem:s17+$0x180];
	(xrf1) =	vsort.ascd.msk.f32 $0xffff, v51, v26  }
0x161: {  	v57 =	vld [tilespmem:s11+$0xFFFFFFA0];
	(xrf1) =	vsort.ascd.msk.f32 $0xffff, v52, v23  }
0x162: {  	v58 =	vld [tilespmem:s17+$0x100];
	(xrf1) =	vsort.ascd.msk.f32 $0xffff, v53, v15  }
0x163: {  	v59 =	vld [tilespmem:s11+$0xFFFFFFF0];
	(xrf1) =	vsort.ascd.msk.f32 $0xffff, v54, v14  }
0x164: {  	v60 =	vld [tilespmem:s11+$0xFFFFFF90];
	(xrf1) =	vsort.ascd.msk.f32 $0xffff, v55, v20;
	v61, v43, _ =	vpop (xrf1)  }
0x165: {  	v44 =	vld [tilespmem:s11+$0x0];
	v45, v46, _ =	vpop (xrf1);
	(xrf1) =	vsort.ascd.msk.f32 $0xffff, v56, v25  }
0x166: {  	v62 =	vld [tilespmem:s11+$0xFFFFFF80];
	v0 =	vperm.xlane v45, v36;
	(xrf1) =	vsort.ascd.msk.f32 $0xffff, v57, v13;
	v63, v47, _ =	vpop (xrf1)  }
0x167: {  	(xrf1) =	vsort.ascd.msk.f32 $0xffff, v58, v17;
	v42, v49, _ =	vpop (xrf1)  }
0x168: {  	v48 =	vld [tilespmem:s11+$0xFFFFFF50];
	v46 =	vperm.xlane v46, v36;
	vm9 =	vle.f32 v61, v0;
	(xrf1) =	vsort.ascd.msk.f32 $0xffff, v59, v18;
	v56, v51, _ =	vpop (xrf1)  }
0x169: {  	v50 =	vld [tilespmem:s11+$0xFFFFFF70];
	v39 =	vsel vm9, v61, v0;
	v37 =	vperm.xlane v56, v36;
	(xrf1) =	vsort.ascd.msk.f32 $0xffff, v60, v12;
	v38, v45, _ =	vpop (xrf1)  }
0x16a: {  	v52 =	vld [tilespmem:s11+$0xFFFFFF40];
	v43 =	vsel vm9, v43, v46;
	v46 =	vperm.xlane v51, v36;
	(xrf1) =	vsort.ascd.msk.f32 $0xffff, v44, v19;
	v58, v57, _ =	vpop (xrf1)  }
0x16b: {  	v44 =	vperm.xlane v58, v36;
	vm10 =	vle.f32 v42, v37;
	(xrf1) =	vsort.ascd.msk.f32 $0xffff, v62, v11;
	v59, v54, _ =	vpop (xrf1)  }
0x16c: {  	v53 =	vld [tilespmem:s11+$0xFFFFFF30];
	v51 =	vperm.xlane v57, v36;
	v40 =	vperm.xlane v59, v36;
	v56, v57, _ =	vpop (xrf1);
	(xrf1) =	vsort.ascd.msk.f32 $0xffff, v39, v43  }
0x16d: {  	v0 =	vperm.xlane v54, v36;
	v37 =	vsel vm10, v42, v37;
	(xrf1) =	vsort.ascd.msk.f32 $0xffff, v48, v8;
	v61, v60, _ =	vpop (xrf1)  }
0x16e: {  	v55 =	vld [tilespmem:s17+$0x80];
	v39 =	vperm.xlane v56, v36;
	vm1 =	vle.f32 v63, v40;
	(xrf1) =	vsort.ascd.msk.f32 $0xffff, v50, v10;
	v50, v56, _ =	vpop (xrf1)  }
0x16f: {  	v58 =	vld [tilespmem:s11+$0xFFFFFF20];
	v48 =	vperm.xlane v61, v36;
	v40 =	vsel vm1, v63, v40;
	(xrf1) =	vsort.ascd.msk.f32 $0xffff, v52, v7;
	v62, v63, _ =	vpop (xrf1)  }
0x170: {  	v41 =	vsel vm1, v47, v0;
	v0 =	vperm.xlane v60, v36;
	vm11 =	vle.f32 v62, v39;
	v61, v60, _ =	vpop (xrf1)  }
0x171: {  	vm12 =	vle.f32 v38, v44;
	(xrf1) =	vsort.ascd.msk.f32 $0xffff, v53, v6;
	v39 =	vsel vm11, v62, v39;
	v43, v62, _ =	vpop (xrf1)  }
0x172: {  	v46 =	vsel vm10, v49, v46;
	v38 =	vsel vm12, v38, v44;
	vm2 =	vle.f32 v61, v48;
	v52, v54, _ =	vpop (xrf1)  }
0x173: {  	v50 =	vperm.xlane v50, v36;
	(xrf1) =	vsort.ascd.msk.f32 $0xffff, v55, v9;
	v42 =	vsel vm2, v61, v48;
	v49, v59, _ =	vpop (xrf1)  }
0x174: {  	v48 =	vsel vm2, v60, v0;
	v0 =	vperm.xlane v57, v36;
	(xrf1) =	vsort.ascd.msk.f32 $0xffff, v58, v5;
	v44, v58, _ =	vpop (xrf1)  }
0x175: {  	v45 =	vsel vm12, v45, v51;
	v55 =	vld [tilespmem:s11+$0xFFFFFF10];
	v53 =	vperm.xlane v62, v36;
	v43 =	vperm.xlane v43, v36;
	v51, v57, _ =	vpop (xrf1)  }
0x176: {  	v60 =	vld [tilespmem:s11+$0xFFFFFF00];
	v47 =	vsel vm11, v63, v0;
	v61, v62, _ =	vpop (xrf1);
	(xrf1) =	vsort.ascd.msk.f32 $0xffff, v38, v45;
	v45 =	vperm.xlane v56, v36  }
0x177: {  	vm13 =	vle.f32 v49, v50;
	v38 =	vperm.xlane v54, v36;
	v54, v63, _ =	vpop (xrf1);
	(xrf1) =	vsort.ascd.msk.f32 $0xffff, v37, v46  }
0x178: {  	v37 =	vsel vm13, v49, v50;
	v46, v49, _ =	vpop (xrf1);
	(xrf1) =	vsort.ascd.msk.f32 $0xffff, v39, v47;
	v39 =	vld [tilespmem:s11+$0xFFFFFEF0]  }
0x179: {  	v52 =	vperm.xlane v52, v36;
	vm14 =	vle.f32 v44, v43;
	v47, v50, _ =	vpop (xrf1);
	(xrf1) =	vsort.ascd.msk.f32 $0xffff, v40, v41  }
0x17a: {  	v40 =	vperm.xlane v54, v36;
	v41 =	vsel vm13, v59, v45;
	(xrf1) =	vsort.ascd.msk.f32 $0xffff, v55, v4;
	v45, v54, _ =	vpop (xrf1);
	v55 =	vld [tilespmem:s11+$0xFFFFFEE0]  }
0x17b: {  	v43 =	vsel vm14, v44, v43;
	v44 =	vperm.xlane v61, v36;
	v59, v61, _ =	vpop (xrf1);
	(xrf1) =	vsort.ascd.msk.f32 $0xffff, v60, v3  }
0x17c: {  	v53 =	vsel vm14, v58, v53;
	v56 =	vperm.xlane v63, v36;
	vm3 =	vle.f32 v47, v40;
	v60, v63, _ =	vpop (xrf1)  }
0x17d: {  	vm4 =	vle.f32 v46, v52;
	v40 =	vsel vm3, v47, v40;
	v47, v0, _ =	vpop (xrf1);
	(xrf1) =	vsort.ascd.msk.f32 $0xffff, v39, v2  }
0x17e: {  	vm15 =	vle.f32 v51, v44;
	v38 =	vsel vm4, v49, v38;
	v59 =	vperm.xlane v59, v36  }
0x17f: {  	v61 =	vperm.xlane v61, v36;
	v39 =	vperm.xlane v62, v36;
	v49, v62, _ =	vpop (xrf1);
	(xrf1) =	vsort.ascd.msk.f32 $0xffff, v55, v1  }
0x180: {  	v44 =	vsel vm15, v51, v44;
	v50 =	vsel vm3, v50, v56;
	vm5 =	vle.f32 v47, v59  }
0x181: {  	v63 =	vperm.xlane v63, v36;
	v49 =	vperm.xlane v49, v36;
	v55, v58, _ =	vpop (xrf1);
	v0 =	vsel vm5, v0, v61  }
0x182: {  	v61 =	vsel vm4, v46, v52;
	v56 =	vperm.xlane v62, v36;
	v46, v52, _ =	vpop (xrf1);
	(xrf1) =	vsort.ascd.msk.f32 $0xffff, v37, v41  }
0x183: {  	v60 =	vperm.xlane v60, v36;
	vm7 =	vle.f32 v46, v49;
	(xrf1) =	vsort.ascd.msk.f32 $0xffff, v61, v38  }
0x184: {  	v62 =	vsel vm7, v46, v49;
	v52 =	vsel vm7, v52, v56;
	v38, v46, _ =	vpop (xrf1);
	(xrf1) =	vsort.ascd.msk.f32 $0xffff, v42, v48  }
0x185: {  	v39 =	vsel vm15, v57, v39;
	vm6 =	vle.f32 v55, v60;
	v42, v48, _ =	vpop (xrf1);
	(xrf1) =	vsort.ascd.msk.f32 $0xffff, v62, v52  }
0x186: {  	v47 =	vsel vm5, v47, v59;
	v41 =	vsel vm6, v55, v60;
	v51 =	vsel vm6, v58, v63;
	v56, v57, _ =	vpop (xrf1)  }
0x187: {  	v38 =	vperm.xlane v38, v36;
	(xrf1) =	vsort.ascd.msk.f32 $0xffff, v47, v0;
	v37 =	vperm.xlane v56, v36;
	v0, v58, _ =	vpop (xrf1)  }
0x188: {  	v49 =	vperm.xlane v57, v36;
	v0 =	vperm.xlane v0, v36;
	v59, v60, _ =	vpop (xrf1);
	(xrf1) =	vsort.ascd.msk.f32 $0xffff, v44, v39  }
0x189: {  	v47 =	vperm.xlane v58, v36;
	v61 =	vperm.xlane v59, v36;
	v63, v62, _ =	vpop (xrf1);
	(xrf1) =	vsort.ascd.msk.f32 $0xffff, v43, v53  }
0x18a: {  	v44 =	vperm.xlane v60, v36;
	vm9 =	vle.f32 v42, v0;
	(xrf1) =	vsort.ascd.msk.f32 $0xffff, v40, v50  }
0x18b: {  	vm10 =	vle.f32 v63, v61;
	v0 =	vsel vm9, v42, v0;
	v58, v57, _ =	vpop (xrf1);
	(xrf1) =	vsort.ascd.msk.f32 $0xffff, v41, v51  }
0x18c: {  	v60 =	vsel vm9, v48, v47;
	v39 =	vsel vm10, v63, v61;
	v59 =	vperm.xlane v58, v36  }
0x18d: {  	v61 =	vperm.xlane v57, v36;
	v44 =	vsel vm10, v62, v44;
	v62, v63, _ =	vpop (xrf1);
	(xrf1) =	vsort.ascd.msk.f32 $0xffff, v0, v60  }
0x18e: {  	vm8 =	vle.f32 v45, v37;
	vm11 =	vle.f32 v62, v59;
	(xrf1) =	vsort.ascd.msk.f32 $0xffff, v39, v44  }
0x18f: {  	v37 =	vsel vm8, v45, v37;
	v45 =	vsel vm11, v62, v59;
	v39 =	vsel vm11, v63, v61  }
0x190: {  	v56 =	vperm.xlane v46, v36;
	v48, v47, _ =	vpop (xrf1);
	(xrf1) =	vsort.ascd.msk.f32 $0xffff, v45, v39  }
0x191: {  	v0 =	vsel vm8, v54, v49;
	vm12 =	vle.f32 v48, v38;
	v49, v50, _ =	vpop (xrf1)  }
0x192: {  	v38 =	vsel vm12, v48, v38;
	v51 =	vsel vm12, v47, v56;
	v52, v53, _ =	vpop (xrf1)  }
0x193: {  	v44, v45, _ =	vpop (xrf1);
	(xrf1) =	vsort.ascd.msk.f32 $0xffff, v38, v51;
	_ =	sdelay $0x1  }
0x194: {  	v39 =	vperm.xlane v49, v36;
	v54 =	vperm.xlane v50, v36;
	v55, v56, _ =	vpop (xrf1)  }
0x195: {  	v42 =	vperm.xlane v52, v36;
	v43 =	vperm.xlane v53, v36;
	v58, v57, _ =	vpop (xrf1)  }
0x196: {  	v40 =	vperm.xlane v55, v36;
	vm13 =	vle.f32 v58, v39;
	v60, v59, _ =	vpop (xrf1);
	(xrf1) =	vsort.ascd.msk.f32 $0xffff, v37, v0  }
0x197: {  	v41 =	vperm.xlane v56, v36;
	v39 =	vsel vm13, v58, v39;
	v0 =	vsel vm13, v57, v54;
	v62, v61, _ =	vpop (xrf1)  }
0x198: {  	vm14 =	vle.f32 v44, v40;
	vm15 =	vle.f32 v60, v42;
	v52, v51, _ =	vpop (xrf1);
	(xrf1) =	vsort.ascd.msk.f32 $0xffff, v39, v0  }
0x199: {  	v63 =	vsel vm14, v44, v40;
	v45 =	vsel vm14, v45, v41;
	v37 =	vperm.xlane v62, v36  }
0x19a: {  	v53 =	vsel vm15, v60, v42;
	v54 =	vsel vm15, v59, v43;
	(xrf1) =	vsort.ascd.msk.f32 $0xffff, v63, v45;
	v0, v55, _ =	vpop (xrf1)  }
0x19b: {  	v38 =	vperm.xlane v61, v36;
	v57, v58, _ =	vpop (xrf1);
	(xrf1) =	vsort.ascd.msk.f32 $0xffff, v53, v54  }
0x19c: {  	vm4 =	vle.f32 v52, v37;
	v59 =	vperm.xlane v57, v36  }
0x19d: {  	v37 =	vsel vm4, v52, v37;
	v56 =	vsel vm4, v51, v38;
	v60 =	vperm.xlane v58, v36;
	v62, v61, _ =	vpop (xrf1)  }
0x19e: {  	(xrf1) =	vsort.ascd.msk.f32 $0xffff, v37, v56;
	vm5 =	vle.f32 v62, v59  }
0x19f: {  	v0 =	vperm.xlane v0, v36;
	v37 =	vsel vm5, v62, v59;
	v38 =	vsel vm5, v61, v60  }
0x1a0: {  	v63 =	vperm.xlane v55, v36;
	v45, v44, _ =	vpop (xrf1);
	(xrf1) =	vsort.ascd.msk.f32 $0xffff, v37, v38  }
0x1a1: {  	vm6 =	vle.f32 v45, v0  }
0x1a2: {  	v40 =	vsel vm6, v45, v0;
	v39 =	vsel vm6, v44, v63  }
0x1a3: {  	(xrf1) =	vsort.ascd.msk.f32 $0xffff, v40, v39  }
0x1a4: {  	v0, v46, _ =	vpop (xrf1)  }
0x1a5: {  	v0 =	vperm.xlane v0, v36  }
0x1a6: {  	v49 =	vld [tilespmem:s11+$0x110];
	v37 =	vperm.xlane v46, v36;
	v47, v48, _ =	vpop (xrf1)  }
0x1a7: {  	v58 =	vld [tilespmem:$0x1FFF0];
	vm7 =	vle.f32 v47, v0  }
0x1a8: {  	v52 =	vld [tilespmem:s11+$0x100];
	v50, v51, _ =	vpop (xrf1);
	v0 =	vsel vm7, v47, v0;
	v37 =	vsel vm7, v48, v37  }
0x1a9: {  	v53, v43, _ =	vpop (xrf1);
	(xrf1) =	vsort.ascd.msk.f32 $0xffff, v0, v37;
	v0 =	vld [tilespmem:s11+$0xF0];
	_ =	sdelay $0x1  }
0x1aa: {  	v57 =	vld [tilespmem:s17+$0x200];
	v54 =	vperm.xlane v53, v36  }
0x1ab: {  	v38 =	vperm.xlane v50, v36;
	v55 =	vperm.xlane v43, v36;
	v56, v44, _ =	vpop (xrf1);
	(xrf1) =	vsort.ascd.msk.f32 $0xffff, v49, v58  }
0x1ac: {  	v39 =	vperm.xlane v51, v36;
	(xrf1) =	vsort.ascd.msk.f32 $0xffff, v52, v35;
	vm8 =	vle.f32 v56, v54  }
0x1ad: {  	v37 =	vsel vm8, v56, v54;
	v42 =	vsel vm8, v44, v55;
	(xrf1) =	vsort.ascd.msk.f32 $0xffff, v0, v34;
	v0, v59, _ =	vpop (xrf1)  }
0x1ae: {  	(xrf1) =	vsort.ascd.msk.f32 $0xffff, v37, v42;
	vm9 =	vle.f32 v0, v38  }
0x1af: {  	(xrf1) =	vsort.ascd.msk.f32 $0xffff, v57, v33;
	v0 =	vsel vm9, v0, v38;
	v62 =	vsel vm9, v59, v39  }
0x1b0: {  	v61, v60, _ =	vpop (xrf1);
	(xrf1) =	vsort.ascd.msk.f32 $0xffff, v0, v62;
	_ =	sdelay $0x4  }
0x1b1: {  	v0 =	vperm.xlane v61, v36;
	_ =	sdelay $0x1  }
0x1b2: {  	v44, v39, _ =	vpop (xrf1)  }
0x1b3: {  	v63 =	vperm.xlane v60, v36;
	vm10 =	vle.f32 v44, v0  }
0x1b4: {  	v45 =	vsel vm10, v44, v0;
	v0, v37, _ =	vpop (xrf1)  }
0x1b5: {  	v46 =	vsel vm10, v39, v63;
	v0 =	vperm.xlane v0, v36;
	v47, v39, _ =	vpop (xrf1)  }
0x1b6: {  	(xrf1) =	vsort.ascd.msk.f32 $0xffff, v45, v46;
	v37 =	vperm.xlane v37, v36;
	v49, v48, _ =	vpop (xrf1)  }
0x1b7: {  	vm11 =	vle.f32 v47, v0;
	v40 =	vperm.xlane v49, v36;
	v42, v50, _ =	vpop (xrf1);
	v41 =	vperm.xlane v48, v36  }
0x1b8: {  	v0 =	vsel vm11, v47, v0;
	v37 =	vsel vm11, v39, v37;
	v51, v52, _ =	vpop (xrf1);
	v42 =	vperm.xlane v42, v36  }
0x1b9: {  	(xrf1) =	vsort.ascd.msk.f32 $0xffff, v0, v37;
	v54 =	vperm.xlane v50, v36;
	vm12 =	vle.f32 v51, v40;
	v56, v55, _ =	vpop (xrf1)  }
0x1ba: {  	v0 =	vsel vm12, v51, v40;
	v53 =	vsel vm12, v52, v41;
	vm13 =	vle.f32 v56, v42  }
0x1bb: {  	(xrf1) =	vsort.ascd.msk.f32 $0xffff, v0, v53;
	v0 =	vsel vm13, v56, v42;
	v57 =	vsel vm13, v55, v54  }
0x1bc: {  	(xrf1) =	vsort.ascd.msk.f32 $0xffff, v0, v57;
	_ =	sdelay $0x9  }
0x1bd: {  	v0, v37, _ =	vpop (xrf1)  }
0x1be: {  	v59, v58, _ =	vpop (xrf1)  }
0x1bf: {  	p0 =	sne.s32 s14, $0x141C0;
	v38 =	vperm.xlane v59, v36  }
.Ltmp0:
0x1c0: {  	v0 =	vperm.xlane v0, v36;
	v39 =	vperm.xlane v58, v36;
	v61, v60, _ =	vpop (xrf1);
	(pc) =	sbr.rel @p0 .LBB2_2-.Ltmp0, $4  }
0x1c1: {  	v37 =	vperm.xlane v37, v36;
	vm14 =	vle.f32 v61, v38;
	v62, v63, _ =	vpop (xrf1)  }
0x1c2: {  	v38 =	vsel vm14, v61, v38;
	v39 =	vsel vm14, v60, v39;
	vm15 =	vle.f32 v62, v0  }
0x1c3: {  	s15 =	sadd.s32 $0x10, s15;
	s16 =	sadd.s32 $0x10, s16;
	(xrf1) =	vsort.ascd.msk.f32 $0xffff, v38, v39;
	v0 =	vsel vm15, v62, v0;
	v37 =	vsel vm15, v63, v37  }
0x1c4: {  	s14 =	sadd.s32 $0x240, s14;
	s12 =	smov.u32 s15;
	s13 =	smov.u32 s16;
	(xrf1) =	vsort.ascd.msk.f32 $0xffff, v0, v37  }
0x1c5: {  	_ =	sdelay $0xb  }
0x1c6: {  	v0, v37, _ =	vpop (xrf1)  }
0x1c7: {  	v0 =	vperm.xlane v0, v36  }
0x1c8: {  	v37 =	vperm.xlane v37, v36;
	v38, v39, _ =	vpop (xrf1)  }
0x1c9: {  	vm0 =	vle.f32 v38, v0  }
0x1ca: {  	v0 =	vsel vm0, v38, v0;
	v37 =	vsel vm0, v39, v37  }
0x1cb: {  	(xrf1) =	vsort.ascd.msk.f32 $0xffff, v0, v37;
	_ =	sdelay $0xd  }
0x1cc: {  	v0, v37, _ =	vpop (xrf1)  }
0x1cd: {  	[tilespmem:s12+$0x0] =	vst v0  }
0x1ce: {  	[tilespmem:s13+$0x0] =	vst v37  }
0x1cf: {  	[hbm4b:s4+s2] =	stream.linear.scatter [tilespmem:s8], [sflag:$0x1], $0x900, $0x38;
	[tilespmem:$0x15600] =	vst v63  }
0x1d0: {  	s10 =	sadd.s32 $0x1, s10;
	v0 =	vmovc v1;
	v1 =	vmovc v2;
	v2 =	vmov v3;
	v3 =	vmov v4;
	v4 =	vmov v5;
	_ =	swait.ge [sflag:s7], $0x900  }
0x1d1: {  	p0 =	sne.s32 s10, s6;
	v5 =	vmovc v6;
	v6 =	vmovc v7;
	v7 =	vmov v8;
	v8 =	vmov v9;
	v9 =	vmov v10;
	[sflag:s7] =	ssyncset.done $0x0  }
.Ltmp1:
0x1d2: {  	v10 =	vmovc v11;
	v11 =	vmovc v12;
	v12 =	vmov v13;
	v13 =	vmov v14;
	v14 =	vmov v15;
	[sflag:s7] =	ssyncadd.s32 $0xFFFFF700;
	(pc) =	sbr.rel @p0 .LBB2_1-.Ltmp1, $4  }
0x1d3: {  	v15 =	vmovc v16;
	v16 =	vmovc v17;
	v17 =	vmov v18;
	v18 =	vmov v19;
	v19 =	vmov v20;
	[hbm4b:s5+s2] =	stream.linear.scatter [tilespmem:s9], [sflag:$0x1], $0x900, $0x38;
	[tilespmem:$0x15600] =	vst v63  }
0x1d4: {  	v20 =	vmovc v21;
	v21 =	vmovc v22;
	v22 =	vmov v23;
	v23 =	vmov v24;
	v24 =	vmov v25;
	_ =	swait.ge [sflag:s7], $0x900  }
0x1d5: {  	v25 =	vmovc v26;
	v26 =	vmovc v27;
	v27 =	vmov v28;
	v28 =	vmov v29;
	v29 =	vmov v30;
	[sflag:s7] =	ssyncset.done $0x0  }
0x1d6: {  	v30 =	vmovc v31;
	v31 =	vmovc v32;
	v32 =	vmov v33;
	v33 =	vmov v34;
	v34 =	vmov v35;
	v35 =	vld [tilespmem:$0x1FFF0];
	[sflag:s7] =	ssyncadd.s32 $0xFFFFF700  }
0x1d7: {  	_ =	sfence.sel $0x180000  }
0x1d8: {  	[bflag:$0x0] =	sbarrier.arrive $0xFFFF  }
0x1d9: {  	p0 =	sne.s32 s0, $0x0;
	_ =	strace $0x90000047  }
0x1da: {  	s0 =	sadd.s32 @!p0 $0x100000, s1;
	[bflag:$0x2] =	sbarrier.arrive $0xFFFF  }
0x1db: {  	[sflag:s0] =	ssyncadd.tile.s32 @!p0 $0x1;
	_ =	shalt  }
.Lfunc_end2:
_tile_overlayer_lowered:
.L_overlay_start_2:
0x1dc: {  	(tag) =	ssettag $0x2  }
0x1dd: {  	s0 =	rddreg [dreg:$0x0];
	s2 =	stileid.u32  }
0x1de: {  	s1 =	rddreg [dreg:$0x1];
	p0 =	sne.s32 s2, $0x0  }
0x1df: {  	s3 =	rddreg [dreg:$0x2];
	[bflag:$0x3] =	sbarrier.arrive $0xFFFF;
	s2 =	simm.s32 @!p0 $0x1C01  }
0x1e0: {  	[timem:s3], [sflag:s2] =	dma.local @!p0 [hbm:s0], s1  }
0x1e1: {  	s0 =	simm.s32 @!p0 $0x1  }
0x1e2: {  	_ =	swait.ge @!p0 [sflag:s0], s1  }
0x1e3: {  	s1 =	ssub.s32 @!p0 $0x0, s1;
	[sflag:s0] =	ssyncset.done @!p0 $0x0  }
0x1e4: {  	[sflag:s0] =	ssyncadd.s32 @!p0 s1  }
0x1e5: {  	[bflag:$0x3] =	sbarrier.arrive $0xFFFF  }
0x1e6: {  	_ =	shalt  }

</sc_bundles>
